<compile_context>
chip_gen: v7x
topology: tpu7x:2x2x1
jax: 0.10.2.dev20260603
libtpu: 0.0.44.dev20260713+nightly
codegen_flags: <defaults>
</compile_context>

<pallas_src>
import functools

import jax
import jax.numpy as jnp
from jax import lax
from jax.experimental import pallas as pl
from jax.experimental.pallas import tpu as pltpu
from jax.experimental.pallas import tpu_sc as plsc

N, D, E = 10000, 128, 320000
NC, NS = 2, 16
NW = NC * NS
EPW = E // NW
CH = 80
NCH = EPW // CH
NP = 10240
RPT = NP // NS


_mesh = plsc.VectorSubcoreMesh(core_axis_name="c", subcore_axis_name="s")


@functools.partial(
    pl.kernel,
    out_type=jax.ShapeDtypeStruct((NC, NP, D), jnp.float32),
    mesh=_mesh,
    scratch_types=[
        pltpu.VMEM((CH,), jnp.int32),
        pltpu.VMEM((CH,), jnp.int32),
        pltpu.VMEM((CH, D), jnp.float32),
        pltpu.VMEM_SHARED((NP, D), jnp.float32),
        pltpu.SemaphoreType.DMA,
        pltpu.SemaphoreType.DMA,
    ],
)
def _deg_sc(col_hbm, ones_hbm, zeros_hbm, out_hbm,
            cidx0, cidx1, ones_v, shared_deg, semI0, semI1):
    c = lax.axis_index("c")
    s = lax.axis_index("s")
    wid = s * NC + c
    pltpu.sync_copy(ones_hbm, ones_v)
    pltpu.sync_copy(zeros_hbm, shared_deg.at[pl.ds(s * RPT, RPT)])
    plsc.subcore_barrier()
    base = wid * EPW

    def off(k):
        return pl.multiple_of(base + k * CH, 8)

    def idx_start(k, cidx, semI):
        pltpu.async_copy(col_hbm.at[pl.ds(off(k), CH)], cidx, semI)

    def idx_wait(cidx, semI):
        pltpu.make_async_copy(col_hbm.at[pl.ds(0, CH)], cidx, semI).wait()

    idx_start(0, cidx0, semI0)

    def body(p, carry):
        kA = 2 * p
        idx_start(kA + 1, cidx1, semI1)
        idx_wait(cidx0, semI0)
        pltpu.sync_copy(ones_v, shared_deg.at[cidx0], add=True)
        idx_start(kA + 2, cidx0, semI0)
        idx_wait(cidx1, semI1)
        pltpu.sync_copy(ones_v, shared_deg.at[cidx1], add=True)
        return carry

    lax.fori_loop(0, (NCH - 1) // 2, body, 0)
    idx_wait(cidx0, semI0)
    pltpu.sync_copy(ones_v, shared_deg.at[cidx0], add=True)
    plsc.subcore_barrier()
    pltpu.sync_copy(shared_deg.at[pl.ds(s * RPT, RPT)],
                    out_hbm.at[c, pl.ds(s * RPT, RPT)])


@functools.partial(
    pl.kernel,
    out_type=jax.ShapeDtypeStruct((NC, NP, D), jnp.float32),
    mesh=_mesh,
    scratch_types=[
        pltpu.VMEM((CH,), jnp.int32),
        pltpu.VMEM((CH,), jnp.int32),
        pltpu.VMEM((CH,), jnp.int32),
        pltpu.VMEM((CH,), jnp.int32),
        pltpu.VMEM((CH,), jnp.int32),
        pltpu.VMEM((CH,), jnp.int32),
        pltpu.VMEM((CH, D), jnp.float32),
        pltpu.VMEM((CH, D), jnp.float32),
        pltpu.VMEM((CH, D), jnp.float32),
        pltpu.VMEM_SHARED((NP, D), jnp.float32),
        pltpu.SemaphoreType.DMA,
        pltpu.SemaphoreType.DMA,
        pltpu.SemaphoreType.DMA,
        pltpu.SemaphoreType.DMA,
        pltpu.SemaphoreType.DMA,
        pltpu.SemaphoreType.DMA,
    ],
)
def _agg_sc(row_hbm, col_hbm, hs_hbm, zeros_hbm, out_hbm,
            ridx0, cidx0, ridx1, cidx1, ridx2, cidx2,
            rows0, rows1, rows2, shared_agg,
            semI0, semI1, semI2, semG0, semG1, semG2):
    c = lax.axis_index("c")
    s = lax.axis_index("s")
    wid = s * NC + c
    pltpu.sync_copy(zeros_hbm, shared_agg.at[pl.ds(s * RPT, RPT)])
    plsc.subcore_barrier()
    base = wid * EPW

    ridx = (ridx0, ridx1, ridx2)
    cidx = (cidx0, cidx1, cidx2)
    rows = (rows0, rows1, rows2)
    semI = (semI0, semI1, semI2)
    semG = (semG0, semG1, semG2)

    def off(k):
        return pl.multiple_of(base + k * CH, 8)

    def idx_start(k, b):
        pltpu.async_copy(row_hbm.at[pl.ds(off(k), CH)], ridx[b], semI[b])
        pltpu.async_copy(col_hbm.at[pl.ds(off(k), CH)], cidx[b], semI[b])

    def idx_wait(b):
        pltpu.make_async_copy(row_hbm.at[pl.ds(0, CH)], ridx[b], semI[b]).wait()
        pltpu.make_async_copy(col_hbm.at[pl.ds(0, CH)], cidx[b], semI[b]).wait()

    def gather_start(b):
        pltpu.async_copy(hs_hbm.at[ridx[b]], rows[b], semG[b])

    def gather_drain(b):
        pltpu.make_async_copy(hs_hbm.at[pl.ds(0, CH)], rows[b], semG[b]).wait()

    for b in range(3):
        idx_start(b, b)
    for b in range(3):
        idx_wait(b)
        gather_start(b)

    def step(k, b):
        gather_drain(b)
        pltpu.sync_copy(rows[b], shared_agg.at[cidx[b]], add=True)

        @pl.when(k + 3 < NCH)
        def _():
            idx_start(k + 3, b)
            idx_wait(b)
            gather_start(b)

    def body(p, carry):
        k = 3 * p
        step(k, 0)
        step(k + 1, 1)
        step(k + 2, 2)
        return carry

    lax.fori_loop(0, NCH // 3, body, 0)
    gather_drain(0)
    pltpu.sync_copy(rows[0], shared_agg.at[cidx[0]], add=True)
    gather_drain(1)
    pltpu.sync_copy(rows[1], shared_agg.at[cidx[1]], add=True)
    plsc.subcore_barrier()
    pltpu.sync_copy(shared_agg.at[pl.ds(s * RPT, RPT)],
                    out_hbm.at[c, pl.ds(s * RPT, RPT)])


BR = 1024


def _dis_from_degp(degp):
    deg = degp[0, :, 0] + degp[1, :, 0]
    return jnp.where(deg > 0.5, lax.rsqrt(jnp.maximum(deg, 1.0)), 0.0)


def _tc1_body(x_ref, mk_ref, degp_ref, w_ref, hs_ref):
    dis = _dis_from_degp(degp_ref[...])
    nodes = x_ref[...] * mk_ref[...]
    h = jnp.dot(nodes, w_ref[...], preferred_element_type=jnp.float32)
    hs_ref[...] = h * dis[:, None]


def _tc2_body(aggp_ref, degp_ref, x_ref, mk_ref, bg_ref, wl_ref, bl_ref, y_ref):
    dis = _dis_from_degp(degp_ref[...])
    a = (aggp_ref[0] + aggp_ref[1]) * dis[:, None] + bg_ref[...]
    g = a * 0.5 * (1.0 + lax.erf(a * 0.7071067811865476))
    out = jnp.dot(g, wl_ref[...], preferred_element_type=jnp.float32) + bl_ref[...]
    x = x_ref[...]
    y_ref[...] = jnp.where(mk_ref[...] > 0, x + out, x)


_tc1 = pl.pallas_call(
    _tc1_body,
    grid=(NP // BR,),
    in_specs=[
        pl.BlockSpec((BR, D), lambda j: (j, 0)),
        pl.BlockSpec((BR, 1), lambda j: (j, 0)),
        pl.BlockSpec((NC, BR, D), lambda j: (0, j, 0)),
        pl.BlockSpec((D, D), lambda j: (0, 0)),
    ],
    out_specs=pl.BlockSpec((BR, D), lambda j: (j, 0)),
    out_shape=jax.ShapeDtypeStruct((N, D), jnp.float32),
)

_tc2 = pl.pallas_call(
    _tc2_body,
    grid=(NP // BR,),
    in_specs=[
        pl.BlockSpec((NC, BR, D), lambda j: (0, j, 0)),
        pl.BlockSpec((NC, BR, D), lambda j: (0, j, 0)),
        pl.BlockSpec((BR, D), lambda j: (j, 0)),
        pl.BlockSpec((BR, 1), lambda j: (j, 0)),
        pl.BlockSpec((1, D), lambda j: (0, 0)),
        pl.BlockSpec((D, D), lambda j: (0, 0)),
        pl.BlockSpec((1, D), lambda j: (0, 0)),
    ],
    out_specs=pl.BlockSpec((BR, D), lambda j: (j, 0)),
    out_shape=jax.ShapeDtypeStruct((N, D), jnp.float32),
)


def kernel(x, mask, edges, W_gcn, b_gcn, W_lin, b_lin):
    row = edges[0]
    col = edges[1]
    mk = mask.astype(jnp.float32).reshape(N, 1)
    onesD = jnp.ones((CH, D), jnp.float32)
    zerosD = jnp.zeros((RPT, D), jnp.float32)

    degp = _deg_sc(col, onesD, zerosD)
    hs = _tc1(x, mk, degp, W_gcn)
    aggp = _agg_sc(row, col, hs, zerosD)
    return _tc2(aggp, degp, x, mk, b_gcn.reshape(1, D), W_lin, b_lin.reshape(1, D))

# --- scband reference (transcript-rebuilt; emitter-appended) ---
"""Pipeline reference for scband-graph-conv-adapter-1760936591581 (READ-ONLY COPY).

The authoritative reference and input builder live on the scoring server;
editing this copy changes nothing except your own understanding.
"""

import jax, jax.numpy as jnp
import numpy as np

N, D, E = 10000, 128, 320000

def setup_inputs(seed: int = 0) -> dict:
    key = jax.random.key(seed)
    k1, k2, k3, k4, k5, k6 = jax.random.split(key, 6)
    x = jax.random.normal(k1, (N, D), dtype=jnp.float32)
    mask = jnp.ones((N,), dtype=bool)
    edges = jax.random.randint(k2, (2, E), 0, N, dtype=jnp.int32)
    # GCNConv params: lin weight (no bias in lin) + conv bias
    W_gcn = jax.random.normal(k3, (D, D), dtype=jnp.float32) * (1.0 / np.sqrt(D))
    b_gcn = jnp.zeros((D,), dtype=jnp.float32)
    # trailing nn.Linear(graph_hid_dim, input_dim)
    W_lin = jax.random.normal(k4, (D, D), dtype=jnp.float32) * (1.0 / np.sqrt(D))
    b_lin = jax.random.normal(k5, (D,), dtype=jnp.float32) * 0.01
    return {"x": x, "mask": mask, "edges": edges, "W_gcn": W_gcn, "b_gcn": b_gcn, "W_lin": W_lin, "b_lin": b_lin}

def reference(x, mask, edges, W_gcn, b_gcn, W_lin, b_lin):
    # nodes_emb = x[mask].clone()
    nodes = jnp.where(mask[:, None], x, jnp.zeros((), dtype=x.dtype))
    Nm = nodes.shape[0]
    row = edges[0]
    col = edges[1]
    # GCNConv (add_self_loops=False, normalize=True): symmetric gcn_norm
    deg = jnp.zeros((Nm,), dtype=x.dtype).at[col].add(1.0)
    deg_safe = jnp.where(deg > 0, deg, 1.0)
    dis = jnp.where(deg > 0, 1.0 / jnp.sqrt(deg_safe), 0.0)
    norm = dis[row] * dis[col]
    h = nodes @ W_gcn
    msg = h[row] * norm[:, None]
    agg = jnp.zeros((Nm, h.shape[1]), dtype=x.dtype).at[col].add(msg)
    agg = agg + b_gcn
    # GELU (torch nn.GELU default: exact erf)
    g = jax.nn.gelu(agg, approximate=False)
    # nn.Linear(graph_hid_dim, input_dim); dropout=0 -> identity
    out = g @ W_lin + b_lin
    # x[mask] = x[mask] + nodes_emb  (residual write-back)
    x_new = jnp.where(mask[:, None], x + out, x)
    return x_new

if False:  # reference __main__ guard neutralized (emitter)
    inp = setup_inputs()
    y = reference(**inp)
    print(y.shape, y.dtype)

if __name__ == "__main__":
    import jax
    _d = setup_inputs()
    print(jax.jit(kernel)(*tuple(_d.values())))

</pallas_src>

<mosaic_0001>
#map = affine_map<(d0, d1) -> (0)>
#map1 = affine_map<(d0, d1) -> (0, 0)>
#map2 = affine_map<(d0, d1) -> (0, 0, 0)>
module attributes {stable_mosaic.version = 14 : i64} {
  func.func @_agg_sc(%arg0: i32, %arg1: i32, %arg2: memref<320000xi32, #tpu.memory_space<hbm>>, %arg3: memref<320000xi32, #tpu.memory_space<hbm>>, %arg4: memref<10000x128xf32, #tpu.memory_space<hbm>>, %arg5: memref<640x128xf32, #tpu.memory_space<hbm>>, %arg6: memref<2x10240x128xf32, #tpu.memory_space<hbm>>, %arg7: memref<80xi32, #tpu.memory_space<vmem>>, %arg8: memref<80xi32, #tpu.memory_space<vmem>>, %arg9: memref<80xi32, #tpu.memory_space<vmem>>, %arg10: memref<80xi32, #tpu.memory_space<vmem>>, %arg11: memref<80xi32, #tpu.memory_space<vmem>>, %arg12: memref<80xi32, #tpu.memory_space<vmem>>, %arg13: memref<80x128xf32, #tpu.memory_space<vmem>>, %arg14: memref<80x128xf32, #tpu.memory_space<vmem>>, %arg15: memref<80x128xf32, #tpu.memory_space<vmem>>, %arg16: memref<10240x128xf32, #tpu.memory_space<vmem_shared>>, %arg17: memref<!tpu.dma_semaphore, #tpu.memory_space<semaphore_mem>>, %arg18: memref<!tpu.dma_semaphore, #tpu.memory_space<semaphore_mem>>, %arg19: memref<!tpu.dma_semaphore, #tpu.memory_space<semaphore_mem>>, %arg20: memref<!tpu.dma_semaphore, #tpu.memory_space<semaphore_mem>>, %arg21: memref<!tpu.dma_semaphore, #tpu.memory_space<semaphore_mem>>, %arg22: memref<!tpu.dma_semaphore, #tpu.memory_space<semaphore_mem>>) attributes {dimension_semantics = [#tpu.dimension_semantics<core_parallel>, #tpu.dimension_semantics<subcore_parallel>], iteration_bounds = array<i64: 2, 16>, scalar_prefetch = 0 : i64, scratch_operands = 16 : i64, tpu.core_type = #tpu.core_type<sc_vector_subcore>, window_params = [{transform_indices = #map}, {transform_indices = #map}, {transform_indices = #map1}, {transform_indices = #map1}, {transform_indices = #map2}]} {
    %mul3A = arith.constant 2 : i32
    %mul3A_0 = arith.muli %arg1, %mul3A : i32
    %add3A = arith.addi %mul3A_0, %arg0 : i32
    %mul3A_1 = arith.constant 640 : i32
    %mul3A_2 = arith.muli %arg1, %mul3A_1 : i32
    "tpu.region"() ({
      %run_scoped3A = tpu.sem_alloc : memref<!tpu.dma_semaphore, #tpu.memory_space<semaphore_mem>>
      %dma_start3A_87 = arith.constant 0 : i32
      %dma_start3A_88 = tpu.memref_slice %arg16[%mul3A_2, %dma_start3A_87] : memref<10240x128xf32, #tpu.memory_space<vmem_shared>> -> memref<640x128xf32, #tpu.memory_space<vmem_shared>>
      tpu.enqueue_dma source(%arg5 : memref<640x128xf32, #tpu.memory_space<hbm>>) target(%dma_start3A_88 : memref<640x128xf32, #tpu.memory_space<vmem_shared>>) target_semaphore(%run_scoped3A : memref<!tpu.dma_semaphore, #tpu.memory_space<semaphore_mem>>)
      %dma_wait3A_89 = arith.constant 0 : i32
      %dma_wait3A_90 = tpu.memref_slice %arg16[%mul3A_2, %dma_wait3A_89] : memref<10240x128xf32, #tpu.memory_space<vmem_shared>> -> memref<640x128xf32, #tpu.memory_space<vmem_shared>>
      tpu.wait_dma2 semaphore(%run_scoped3A : memref<!tpu.dma_semaphore, #tpu.memory_space<semaphore_mem>>) src(%arg5 : memref<640x128xf32, #tpu.memory_space<hbm>>) dst(%dma_wait3A_90 : memref<640x128xf32, #tpu.memory_space<vmem_shared>>)
      tpu.yield
    }) : () -> ()
    %barrier3A = arith.constant 0 : index
    tpu.barrier barrier_id(%barrier3A)
    %mul3A_3 = arith.constant 10000 : i32
    %mul3A_4 = arith.muli %add3A, %mul3A_3 : i32
    %add3A_5 = arith.constant 0 : i32
    %add3A_6 = arith.addi %mul3A_4, %add3A_5 : i32
    %multiple_of3A = tpu.assume_multiple %add3A_6, 8 : i32
    %dma_start3A = tpu.memref_slice %arg2[%multiple_of3A] : memref<320000xi32, #tpu.memory_space<hbm>> -> memref<80xi32, #tpu.memory_space<hbm>>
    %dma_start3A_7 = tpu.memref_slice %arg2[%multiple_of3A] : memref<320000xi32, #tpu.memory_space<hbm>> -> memref<80xi32, #tpu.memory_space<hbm>>
    tpu.enqueue_dma source(%dma_start3A_7 : memref<80xi32, #tpu.memory_space<hbm>>) target(%arg7 : memref<80xi32, #tpu.memory_space<vmem>>) target_semaphore(%arg17 : memref<!tpu.dma_semaphore, #tpu.memory_space<semaphore_mem>>)
    %add3A_8 = arith.constant 0 : i32
    %add3A_9 = arith.addi %mul3A_4, %add3A_8 : i32
    %multiple_of3A_10 = tpu.assume_multiple %add3A_9, 8 : i32
    %dma_start3A_11 = tpu.memref_slice %arg3[%multiple_of3A_10] : memref<320000xi32, #tpu.memory_space<hbm>> -> memref<80xi32, #tpu.memory_space<hbm>>
    %dma_start3A_12 = tpu.memref_slice %arg3[%multiple_of3A_10] : memref<320000xi32, #tpu.memory_space<hbm>> -> memref<80xi32, #tpu.memory_space<hbm>>
    tpu.enqueue_dma source(%dma_start3A_12 : memref<80xi32, #tpu.memory_space<hbm>>) target(%arg8 : memref<80xi32, #tpu.memory_space<vmem>>) target_semaphore(%arg17 : memref<!tpu.dma_semaphore, #tpu.memory_space<semaphore_mem>>)
    %add3A_13 = arith.constant 80 : i32
    %add3A_14 = arith.addi %mul3A_4, %add3A_13 : i32
    %multiple_of3A_15 = tpu.assume_multiple %add3A_14, 8 : i32
    %dma_start3A_16 = tpu.memref_slice %arg2[%multiple_of3A_15] : memref<320000xi32, #tpu.memory_space<hbm>> -> memref<80xi32, #tpu.memory_space<hbm>>
    %dma_start3A_17 = tpu.memref_slice %arg2[%multiple_of3A_15] : memref<320000xi32, #tpu.memory_space<hbm>> -> memref<80xi32, #tpu.memory_space<hbm>>
    tpu.enqueue_dma source(%dma_start3A_17 : memref<80xi32, #tpu.memory_space<hbm>>) target(%arg9 : memref<80xi32, #tpu.memory_space<vmem>>) target_semaphore(%arg18 : memref<!tpu.dma_semaphore, #tpu.memory_space<semaphore_mem>>)
    %add3A_18 = arith.constant 80 : i32
    %add3A_19 = arith.addi %mul3A_4, %add3A_18 : i32
    %multiple_of3A_20 = tpu.assume_multiple %add3A_19, 8 : i32
    %dma_start3A_21 = tpu.memref_slice %arg3[%multiple_of3A_20] : memref<320000xi32, #tpu.memory_space<hbm>> -> memref<80xi32, #tpu.memory_space<hbm>>
    %dma_start3A_22 = tpu.memref_slice %arg3[%multiple_of3A_20] : memref<320000xi32, #tpu.memory_space<hbm>> -> memref<80xi32, #tpu.memory_space<hbm>>
    tpu.enqueue_dma source(%dma_start3A_22 : memref<80xi32, #tpu.memory_space<hbm>>) target(%arg10 : memref<80xi32, #tpu.memory_space<vmem>>) target_semaphore(%arg18 : memref<!tpu.dma_semaphore, #tpu.memory_space<semaphore_mem>>)
    %add3A_23 = arith.constant 160 : i32
    %add3A_24 = arith.addi %mul3A_4, %add3A_23 : i32
    %multiple_of3A_25 = tpu.assume_multiple %add3A_24, 8 : i32
    %dma_start3A_26 = tpu.memref_slice %arg2[%multiple_of3A_25] : memref<320000xi32, #tpu.memory_space<hbm>> -> memref<80xi32, #tpu.memory_space<hbm>>
    %dma_start3A_27 = tpu.memref_slice %arg2[%multiple_of3A_25] : memref<320000xi32, #tpu.memory_space<hbm>> -> memref<80xi32, #tpu.memory_space<hbm>>
    tpu.enqueue_dma source(%dma_start3A_27 : memref<80xi32, #tpu.memory_space<hbm>>) target(%arg11 : memref<80xi32, #tpu.memory_space<vmem>>) target_semaphore(%arg19 : memref<!tpu.dma_semaphore, #tpu.memory_space<semaphore_mem>>)
    %add3A_28 = arith.constant 160 : i32
    %add3A_29 = arith.addi %mul3A_4, %add3A_28 : i32
    %multiple_of3A_30 = tpu.assume_multiple %add3A_29, 8 : i32
    %dma_start3A_31 = tpu.memref_slice %arg3[%multiple_of3A_30] : memref<320000xi32, #tpu.memory_space<hbm>> -> memref<80xi32, #tpu.memory_space<hbm>>
    %dma_start3A_32 = tpu.memref_slice %arg3[%multiple_of3A_30] : memref<320000xi32, #tpu.memory_space<hbm>> -> memref<80xi32, #tpu.memory_space<hbm>>
    tpu.enqueue_dma source(%dma_start3A_32 : memref<80xi32, #tpu.memory_space<hbm>>) target(%arg12 : memref<80xi32, #tpu.memory_space<vmem>>) target_semaphore(%arg19 : memref<!tpu.dma_semaphore, #tpu.memory_space<semaphore_mem>>)
    %dma_wait3A = arith.constant 0 : i32
    %dma_wait3A_33 = tpu.memref_slice %arg2[%dma_wait3A] : memref<320000xi32, #tpu.memory_space<hbm>> -> memref<80xi32, #tpu.memory_space<hbm>>
    %dma_wait3A_34 = arith.constant 0 : i32
    %dma_wait3A_35 = tpu.memref_slice %arg2[%dma_wait3A_34] : memref<320000xi32, #tpu.memory_space<hbm>> -> memref<80xi32, #tpu.memory_space<hbm>>
    tpu.wait_dma2 semaphore(%arg17 : memref<!tpu.dma_semaphore, #tpu.memory_space<semaphore_mem>>) src(%dma_wait3A_35 : memref<80xi32, #tpu.memory_space<hbm>>) dst(%arg7 : memref<80xi32, #tpu.memory_space<vmem>>)
    %dma_wait3A_36 = arith.constant 0 : i32
    %dma_wait3A_37 = tpu.memref_slice %arg3[%dma_wait3A_36] : memref<320000xi32, #tpu.memory_space<hbm>> -> memref<80xi32, #tpu.memory_space<hbm>>
    %dma_wait3A_38 = arith.constant 0 : i32
    %dma_wait3A_39 = tpu.memref_slice %arg3[%dma_wait3A_38] : memref<320000xi32, #tpu.memory_space<hbm>> -> memref<80xi32, #tpu.memory_space<hbm>>
    tpu.wait_dma2 semaphore(%arg17 : memref<!tpu.dma_semaphore, #tpu.memory_space<semaphore_mem>>) src(%dma_wait3A_39 : memref<80xi32, #tpu.memory_space<hbm>>) dst(%arg8 : memref<80xi32, #tpu.memory_space<vmem>>)
    %dma_start3A_40 = arith.constant 0 : i32
    %dma_start3A_41 = arith.constant 0 : i32
    %dma_start3A_42 = tpu.memref_slice %arg4[%dma_start3A_40, %dma_start3A_41] : memref<10000x128xf32, #tpu.memory_space<hbm>> -> memref<10000x128xf32, #tpu.memory_space<hbm>>
    tpu.enqueue_indirect_dma source(%dma_start3A_42 : memref<10000x128xf32, #tpu.memory_space<hbm>>) target(%arg13 : memref<80x128xf32, #tpu.memory_space<vmem>>) offsets(%arg7 : memref<80xi32, #tpu.memory_space<vmem>>) semaphore(%arg20 : memref<!tpu.dma_semaphore, #tpu.memory_space<semaphore_mem>>)
    %dma_wait3A_43 = arith.constant 0 : i32
    %dma_wait3A_44 = tpu.memref_slice %arg2[%dma_wait3A_43] : memref<320000xi32, #tpu.memory_space<hbm>> -> memref<80xi32, #tpu.memory_space<hbm>>
    %dma_wait3A_45 = arith.constant 0 : i32
    %dma_wait3A_46 = tpu.memref_slice %arg2[%dma_wait3A_45] : memref<320000xi32, #tpu.memory_space<hbm>> -> memref<80xi32, #tpu.memory_space<hbm>>
    tpu.wait_dma2 semaphore(%arg18 : memref<!tpu.dma_semaphore, #tpu.memory_space<semaphore_mem>>) src(%dma_wait3A_46 : memref<80xi32, #tpu.memory_space<hbm>>) dst(%arg9 : memref<80xi32, #tpu.memory_space<vmem>>)
    %dma_wait3A_47 = arith.constant 0 : i32
    %dma_wait3A_48 = tpu.memref_slice %arg3[%dma_wait3A_47] : memref<320000xi32, #tpu.memory_space<hbm>> -> memref<80xi32, #tpu.memory_space<hbm>>
    %dma_wait3A_49 = arith.constant 0 : i32
    %dma_wait3A_50 = tpu.memref_slice %arg3[%dma_wait3A_49] : memref<320000xi32, #tpu.memory_space<hbm>> -> memref<80xi32, #tpu.memory_space<hbm>>
    tpu.wait_dma2 semaphore(%arg18 : memref<!tpu.dma_semaphore, #tpu.memory_space<semaphore_mem>>) src(%dma_wait3A_50 : memref<80xi32, #tpu.memory_space<hbm>>) dst(%arg10 : memref<80xi32, #tpu.memory_space<vmem>>)
    %dma_start3A_51 = arith.constant 0 : i32
    %dma_start3A_52 = arith.constant 0 : i32
    %dma_start3A_53 = tpu.memref_slice %arg4[%dma_start3A_51, %dma_start3A_52] : memref<10000x128xf32, #tpu.memory_space<hbm>> -> memref<10000x128xf32, #tpu.memory_space<hbm>>
    tpu.enqueue_indirect_dma source(%dma_start3A_53 : memref<10000x128xf32, #tpu.memory_space<hbm>>) target(%arg14 : memref<80x128xf32, #tpu.memory_space<vmem>>) offsets(%arg9 : memref<80xi32, #tpu.memory_space<vmem>>) semaphore(%arg21 : memref<!tpu.dma_semaphore, #tpu.memory_space<semaphore_mem>>)
    %dma_wait3A_54 = arith.constant 0 : i32
    %dma_wait3A_55 = tpu.memref_slice %arg2[%dma_wait3A_54] : memref<320000xi32, #tpu.memory_space<hbm>> -> memref<80xi32, #tpu.memory_space<hbm>>
    %dma_wait3A_56 = arith.constant 0 : i32
    %dma_wait3A_57 = tpu.memref_slice %arg2[%dma_wait3A_56] : memref<320000xi32, #tpu.memory_space<hbm>> -> memref<80xi32, #tpu.memory_space<hbm>>
    tpu.wait_dma2 semaphore(%arg19 : memref<!tpu.dma_semaphore, #tpu.memory_space<semaphore_mem>>) src(%dma_wait3A_57 : memref<80xi32, #tpu.memory_space<hbm>>) dst(%arg11 : memref<80xi32, #tpu.memory_space<vmem>>)
    %dma_wait3A_58 = arith.constant 0 : i32
    %dma_wait3A_59 = tpu.memref_slice %arg3[%dma_wait3A_58] : memref<320000xi32, #tpu.memory_space<hbm>> -> memref<80xi32, #tpu.memory_space<hbm>>
    %dma_wait3A_60 = arith.constant 0 : i32
    %dma_wait3A_61 = tpu.memref_slice %arg3[%dma_wait3A_60] : memref<320000xi32, #tpu.memory_space<hbm>> -> memref<80xi32, #tpu.memory_space<hbm>>
    tpu.wait_dma2 semaphore(%arg19 : memref<!tpu.dma_semaphore, #tpu.memory_space<semaphore_mem>>) src(%dma_wait3A_61 : memref<80xi32, #tpu.memory_space<hbm>>) dst(%arg12 : memref<80xi32, #tpu.memory_space<vmem>>)
    %dma_start3A_62 = arith.constant 0 : i32
    %dma_start3A_63 = arith.constant 0 : i32
    %dma_start3A_64 = tpu.memref_slice %arg4[%dma_start3A_62, %dma_start3A_63] : memref<10000x128xf32, #tpu.memory_space<hbm>> -> memref<10000x128xf32, #tpu.memory_space<hbm>>
    tpu.enqueue_indirect_dma source(%dma_start3A_64 : memref<10000x128xf32, #tpu.memory_space<hbm>>) target(%arg15 : memref<80x128xf32, #tpu.memory_space<vmem>>) offsets(%arg11 : memref<80xi32, #tpu.memory_space<vmem>>) semaphore(%arg22 : memref<!tpu.dma_semaphore, #tpu.memory_space<semaphore_mem>>)
    %scan3A = arith.constant 0 : i32
    %scan3A_65 = arith.constant 0 : i32
    %scan3A_66 = arith.constant 41 : i32
    %scan3A_67 = arith.addi %scan3A_65, %scan3A_66 : i32
    %scan3A_68 = arith.constant 1 : i32
    scf.for %scan3A_87 = %scan3A_65 to %scan3A_67 step %scan3A_68  : i32 {
      %mul3A_88 = arith.constant 3 : i32
      %mul3A_89 = arith.muli %mul3A_88, %scan3A_87 : i32
      %dma_wait3A_90 = arith.constant 0 : i32
      %dma_wait3A_91 = arith.constant 0 : i32
      %dma_wait3A_92 = tpu.memref_slice %arg4[%dma_wait3A_90, %dma_wait3A_91] : memref<10000x128xf32, #tpu.memory_space<hbm>> -> memref<80x128xf32, #tpu.memory_space<hbm>>
      %dma_wait3A_93 = arith.constant 0 : i32
      %dma_wait3A_94 = arith.constant 0 : i32
      %dma_wait3A_95 = tpu.memref_slice %arg4[%dma_wait3A_93, %dma_wait3A_94] : memref<10000x128xf32, #tpu.memory_space<hbm>> -> memref<80x128xf32, #tpu.memory_space<hbm>>
      tpu.wait_dma2 semaphore(%arg20 : memref<!tpu.dma_semaphore, #tpu.memory_space<semaphore_mem>>) src(%dma_wait3A_95 : memref<80x128xf32, #tpu.memory_space<hbm>>) dst(%arg13 : memref<80x128xf32, #tpu.memory_space<vmem>>)
      "tpu.region"() ({
        %run_scoped3A = tpu.sem_alloc : memref<!tpu.dma_semaphore, #tpu.memory_space<semaphore_mem>>
        %dma_start3A_130 = arith.constant 0 : i32
        %dma_start3A_131 = arith.constant 0 : i32
        %dma_start3A_132 = tpu.memref_slice %arg16[%dma_start3A_130, %dma_start3A_131] : memref<10240x128xf32, #tpu.memory_space<vmem_shared>> -> memref<10240x128xf32, #tpu.memory_space<vmem_shared>>
        tpu.enqueue_indirect_dma source(%arg13 : memref<80x128xf32, #tpu.memory_space<vmem>>) target(%dma_start3A_132 : memref<10240x128xf32, #tpu.memory_space<vmem_shared>>) offsets(%arg8 : memref<80xi32, #tpu.memory_space<vmem>>) semaphore(%run_scoped3A : memref<!tpu.dma_semaphore, #tpu.memory_space<semaphore_mem>>) {add = true}
        %dma_wait3A_133 = arith.constant 0 : i32
        %dma_wait3A_134 = arith.constant 0 : i32
        %dma_wait3A_135 = tpu.memref_slice %arg16[%dma_wait3A_133, %dma_wait3A_134] : memref<10240x128xf32, #tpu.memory_space<vmem_shared>> -> memref<10240x128xf32, #tpu.memory_space<vmem_shared>>
        tpu.wait_indirect_dma semaphore(%run_scoped3A : memref<!tpu.dma_semaphore, #tpu.memory_space<semaphore_mem>>) src(%arg13 : memref<80x128xf32, #tpu.memory_space<vmem>>) dst(%dma_wait3A_135 : memref<10240x128xf32, #tpu.memory_space<vmem_shared>>)
        tpu.yield
      }) : () -> ()
      %add3A_96 = arith.constant 3 : i32
      %add3A_97 = arith.addi %mul3A_89, %add3A_96 : i32
      %lt3A = arith.constant 125 : i32
      %lt3A_98 = arith.cmpi slt, %add3A_97, %lt3A : i32
      %convert_element_type3A = arith.extui %lt3A_98 : i1 to i32
      %cond3A = arith.constant 0 : i32
      %cond3A_99 = arith.cmpi ne, %convert_element_type3A, %cond3A : i32
      scf.if %cond3A_99 {
        %add3A_130 = arith.constant 3 : i32
        %add3A_131 = arith.addi %mul3A_89, %add3A_130 : i32
        %mul3A_132 = arith.constant 80 : i32
        %mul3A_133 = arith.muli %add3A_131, %mul3A_132 : i32
        %add3A_134 = arith.addi %mul3A_4, %mul3A_133 : i32
        %multiple_of3A_135 = tpu.assume_multiple %add3A_134, 8 : i32
        %dma_start3A_136 = tpu.memref_slice %arg2[%multiple_of3A_135] : memref<320000xi32, #tpu.memory_space<hbm>> -> memref<80xi32, #tpu.memory_space<hbm>>
        %dma_start3A_137 = tpu.memref_slice %arg2[%multiple_of3A_135] : memref<320000xi32, #tpu.memory_space<hbm>> -> memref<80xi32, #tpu.memory_space<hbm>>
        tpu.enqueue_dma source(%dma_start3A_137 : memref<80xi32, #tpu.memory_space<hbm>>) target(%arg7 : memref<80xi32, #tpu.memory_space<vmem>>) target_semaphore(%arg17 : memref<!tpu.dma_semaphore, #tpu.memory_space<semaphore_mem>>)
        %mul3A_138 = arith.constant 80 : i32
        %mul3A_139 = arith.muli %add3A_131, %mul3A_138 : i32
        %add3A_140 = arith.addi %mul3A_4, %mul3A_139 : i32
        %multiple_of3A_141 = tpu.assume_multiple %add3A_140, 8 : i32
        %dma_start3A_142 = tpu.memref_slice %arg3[%multiple_of3A_141] : memref<320000xi32, #tpu.memory_space<hbm>> -> memref<80xi32, #tpu.memory_space<hbm>>
        %dma_start3A_143 = tpu.memref_slice %arg3[%multiple_of3A_141] : memref<320000xi32, #tpu.memory_space<hbm>> -> memref<80xi32, #tpu.memory_space<hbm>>
        tpu.enqueue_dma source(%dma_start3A_143 : memref<80xi32, #tpu.memory_space<hbm>>) target(%arg8 : memref<80xi32, #tpu.memory_space<vmem>>) target_semaphore(%arg17 : memref<!tpu.dma_semaphore, #tpu.memory_space<semaphore_mem>>)
        %dma_wait3A_144 = arith.constant 0 : i32
        %dma_wait3A_145 = tpu.memref_slice %arg2[%dma_wait3A_144] : memref<320000xi32, #tpu.memory_space<hbm>> -> memref<80xi32, #tpu.memory_space<hbm>>
        %dma_wait3A_146 = arith.constant 0 : i32
        %dma_wait3A_147 = tpu.memref_slice %arg2[%dma_wait3A_146] : memref<320000xi32, #tpu.memory_space<hbm>> -> memref<80xi32, #tpu.memory_space<hbm>>
        tpu.wait_dma2 semaphore(%arg17 : memref<!tpu.dma_semaphore, #tpu.memory_space<semaphore_mem>>) src(%dma_wait3A_147 : memref<80xi32, #tpu.memory_space<hbm>>) dst(%arg7 : memref<80xi32, #tpu.memory_space<vmem>>)
        %dma_wait3A_148 = arith.constant 0 : i32
        %dma_wait3A_149 = tpu.memref_slice %arg3[%dma_wait3A_148] : memref<320000xi32, #tpu.memory_space<hbm>> -> memref<80xi32, #tpu.memory_space<hbm>>
        %dma_wait3A_150 = arith.constant 0 : i32
        %dma_wait3A_151 = tpu.memref_slice %arg3[%dma_wait3A_150] : memref<320000xi32, #tpu.memory_space<hbm>> -> memref<80xi32, #tpu.memory_space<hbm>>
        tpu.wait_dma2 semaphore(%arg17 : memref<!tpu.dma_semaphore, #tpu.memory_space<semaphore_mem>>) src(%dma_wait3A_151 : memref<80xi32, #tpu.memory_space<hbm>>) dst(%arg8 : memref<80xi32, #tpu.memory_space<vmem>>)
        %dma_start3A_152 = arith.constant 0 : i32
        %dma_start3A_153 = arith.constant 0 : i32
        %dma_start3A_154 = tpu.memref_slice %arg4[%dma_start3A_152, %dma_start3A_153] : memref<10000x128xf32, #tpu.memory_space<hbm>> -> memref<10000x128xf32, #tpu.memory_space<hbm>>
        tpu.enqueue_indirect_dma source(%dma_start3A_154 : memref<10000x128xf32, #tpu.memory_space<hbm>>) target(%arg13 : memref<80x128xf32, #tpu.memory_space<vmem>>) offsets(%arg7 : memref<80xi32, #tpu.memory_space<vmem>>) semaphore(%arg20 : memref<!tpu.dma_semaphore, #tpu.memory_space<semaphore_mem>>)
      } else {
      }
      %add3A_100 = arith.constant 1 : i32
      %add3A_101 = arith.addi %mul3A_89, %add3A_100 : i32
      %dma_wait3A_102 = arith.constant 0 : i32
      %dma_wait3A_103 = arith.constant 0 : i32
      %dma_wait3A_104 = tpu.memref_slice %arg4[%dma_wait3A_102, %dma_wait3A_103] : memref<10000x128xf32, #tpu.memory_space<hbm>> -> memref<80x128xf32, #tpu.memory_space<hbm>>
      %dma_wait3A_105 = arith.constant 0 : i32
      %dma_wait3A_106 = arith.constant 0 : i32
      %dma_wait3A_107 = tpu.memref_slice %arg4[%dma_wait3A_105, %dma_wait3A_106] : memref<10000x128xf32, #tpu.memory_space<hbm>> -> memref<80x128xf32, #tpu.memory_space<hbm>>
      tpu.wait_dma2 semaphore(%arg21 : memref<!tpu.dma_semaphore, #tpu.memory_space<semaphore_mem>>) src(%dma_wait3A_107 : memref<80x128xf32, #tpu.memory_space<hbm>>) dst(%arg14 : memref<80x128xf32, #tpu.memory_space<vmem>>)
      "tpu.region"() ({
        %run_scoped3A = tpu.sem_alloc : memref<!tpu.dma_semaphore, #tpu.memory_space<semaphore_mem>>
        %dma_start3A_130 = arith.constant 0 : i32
        %dma_start3A_131 = arith.constant 0 : i32
        %dma_start3A_132 = tpu.memref_slice %arg16[%dma_start3A_130, %dma_start3A_131] : memref<10240x128xf32, #tpu.memory_space<vmem_shared>> -> memref<10240x128xf32, #tpu.memory_space<vmem_shared>>
        tpu.enqueue_indirect_dma source(%arg14 : memref<80x128xf32, #tpu.memory_space<vmem>>) target(%dma_start3A_132 : memref<10240x128xf32, #tpu.memory_space<vmem_shared>>) offsets(%arg10 : memref<80xi32, #tpu.memory_space<vmem>>) semaphore(%run_scoped3A : memref<!tpu.dma_semaphore, #tpu.memory_space<semaphore_mem>>) {add = true}
        %dma_wait3A_133 = arith.constant 0 : i32
        %dma_wait3A_134 = arith.constant 0 : i32
        %dma_wait3A_135 = tpu.memref_slice %arg16[%dma_wait3A_133, %dma_wait3A_134] : memref<10240x128xf32, #tpu.memory_space<vmem_shared>> -> memref<10240x128xf32, #tpu.memory_space<vmem_shared>>
        tpu.wait_indirect_dma semaphore(%run_scoped3A : memref<!tpu.dma_semaphore, #tpu.memory_space<semaphore_mem>>) src(%arg14 : memref<80x128xf32, #tpu.memory_space<vmem>>) dst(%dma_wait3A_135 : memref<10240x128xf32, #tpu.memory_space<vmem_shared>>)
        tpu.yield
      }) : () -> ()
      %add3A_108 = arith.constant 3 : i32
      %add3A_109 = arith.addi %add3A_101, %add3A_108 : i32
      %lt3A_110 = arith.constant 125 : i32
      %lt3A_111 = arith.cmpi slt, %add3A_109, %lt3A_110 : i32
      %convert_element_type3A_112 = arith.extui %lt3A_111 : i1 to i32
      %cond3A_113 = arith.constant 0 : i32
      %cond3A_114 = arith.cmpi ne, %convert_element_type3A_112, %cond3A_113 : i32
      scf.if %cond3A_114 {
        %add3A_130 = arith.constant 3 : i32
        %add3A_131 = arith.addi %add3A_101, %add3A_130 : i32
        %mul3A_132 = arith.constant 80 : i32
        %mul3A_133 = arith.muli %add3A_131, %mul3A_132 : i32
        %add3A_134 = arith.addi %mul3A_4, %mul3A_133 : i32
        %multiple_of3A_135 = tpu.assume_multiple %add3A_134, 8 : i32
        %dma_start3A_136 = tpu.memref_slice %arg2[%multiple_of3A_135] : memref<320000xi32, #tpu.memory_space<hbm>> -> memref<80xi32, #tpu.memory_space<hbm>>
        %dma_start3A_137 = tpu.memref_slice %arg2[%multiple_of3A_135] : memref<320000xi32, #tpu.memory_space<hbm>> -> memref<80xi32, #tpu.memory_space<hbm>>
        tpu.enqueue_dma source(%dma_start3A_137 : memref<80xi32, #tpu.memory_space<hbm>>) target(%arg9 : memref<80xi32, #tpu.memory_space<vmem>>) target_semaphore(%arg18 : memref<!tpu.dma_semaphore, #tpu.memory_space<semaphore_mem>>)
        %mul3A_138 = arith.constant 80 : i32
        %mul3A_139 = arith.muli %add3A_131, %mul3A_138 : i32
        %add3A_140 = arith.addi %mul3A_4, %mul3A_139 : i32
        %multiple_of3A_141 = tpu.assume_multiple %add3A_140, 8 : i32
        %dma_start3A_142 = tpu.memref_slice %arg3[%multiple_of3A_141] : memref<320000xi32, #tpu.memory_space<hbm>> -> memref<80xi32, #tpu.memory_space<hbm>>
        %dma_start3A_143 = tpu.memref_slice %arg3[%multiple_of3A_141] : memref<320000xi32, #tpu.memory_space<hbm>> -> memref<80xi32, #tpu.memory_space<hbm>>
        tpu.enqueue_dma source(%dma_start3A_143 : memref<80xi32, #tpu.memory_space<hbm>>) target(%arg10 : memref<80xi32, #tpu.memory_space<vmem>>) target_semaphore(%arg18 : memref<!tpu.dma_semaphore, #tpu.memory_space<semaphore_mem>>)
        %dma_wait3A_144 = arith.constant 0 : i32
        %dma_wait3A_145 = tpu.memref_slice %arg2[%dma_wait3A_144] : memref<320000xi32, #tpu.memory_space<hbm>> -> memref<80xi32, #tpu.memory_space<hbm>>
        %dma_wait3A_146 = arith.constant 0 : i32
        %dma_wait3A_147 = tpu.memref_slice %arg2[%dma_wait3A_146] : memref<320000xi32, #tpu.memory_space<hbm>> -> memref<80xi32, #tpu.memory_space<hbm>>
        tpu.wait_dma2 semaphore(%arg18 : memref<!tpu.dma_semaphore, #tpu.memory_space<semaphore_mem>>) src(%dma_wait3A_147 : memref<80xi32, #tpu.memory_space<hbm>>) dst(%arg9 : memref<80xi32, #tpu.memory_space<vmem>>)
        %dma_wait3A_148 = arith.constant 0 : i32
        %dma_wait3A_149 = tpu.memref_slice %arg3[%dma_wait3A_148] : memref<320000xi32, #tpu.memory_space<hbm>> -> memref<80xi32, #tpu.memory_space<hbm>>
        %dma_wait3A_150 = arith.constant 0 : i32
        %dma_wait3A_151 = tpu.memref_slice %arg3[%dma_wait3A_150] : memref<320000xi32, #tpu.memory_space<hbm>> -> memref<80xi32, #tpu.memory_space<hbm>>
        tpu.wait_dma2 semaphore(%arg18 : memref<!tpu.dma_semaphore, #tpu.memory_space<semaphore_mem>>) src(%dma_wait3A_151 : memref<80xi32, #tpu.memory_space<hbm>>) dst(%arg10 : memref<80xi32, #tpu.memory_space<vmem>>)
        %dma_start3A_152 = arith.constant 0 : i32
        %dma_start3A_153 = arith.constant 0 : i32
        %dma_start3A_154 = tpu.memref_slice %arg4[%dma_start3A_152, %dma_start3A_153] : memref<10000x128xf32, #tpu.memory_space<hbm>> -> memref<10000x128xf32, #tpu.memory_space<hbm>>
        tpu.enqueue_indirect_dma source(%dma_start3A_154 : memref<10000x128xf32, #tpu.memory_space<hbm>>) target(%arg14 : memref<80x128xf32, #tpu.memory_space<vmem>>) offsets(%arg9 : memref<80xi32, #tpu.memory_space<vmem>>) semaphore(%arg21 : memref<!tpu.dma_semaphore, #tpu.memory_space<semaphore_mem>>)
      } else {
      }
      %add3A_115 = arith.constant 2 : i32
      %add3A_116 = arith.addi %mul3A_89, %add3A_115 : i32
      %dma_wait3A_117 = arith.constant 0 : i32
      %dma_wait3A_118 = arith.constant 0 : i32
      %dma_wait3A_119 = tpu.memref_slice %arg4[%dma_wait3A_117, %dma_wait3A_118] : memref<10000x128xf32, #tpu.memory_space<hbm>> -> memref<80x128xf32, #tpu.memory_space<hbm>>
      %dma_wait3A_120 = arith.constant 0 : i32
      %dma_wait3A_121 = arith.constant 0 : i32
      %dma_wait3A_122 = tpu.memref_slice %arg4[%dma_wait3A_120, %dma_wait3A_121] : memref<10000x128xf32, #tpu.memory_space<hbm>> -> memref<80x128xf32, #tpu.memory_space<hbm>>
      tpu.wait_dma2 semaphore(%arg22 : memref<!tpu.dma_semaphore, #tpu.memory_space<semaphore_mem>>) src(%dma_wait3A_122 : memref<80x128xf32, #tpu.memory_space<hbm>>) dst(%arg15 : memref<80x128xf32, #tpu.memory_space<vmem>>)
      "tpu.region"() ({
        %run_scoped3A = tpu.sem_alloc : memref<!tpu.dma_semaphore, #tpu.memory_space<semaphore_mem>>
        %dma_start3A_130 = arith.constant 0 : i32
        %dma_start3A_131 = arith.constant 0 : i32
        %dma_start3A_132 = tpu.memref_slice %arg16[%dma_start3A_130, %dma_start3A_131] : memref<10240x128xf32, #tpu.memory_space<vmem_shared>> -> memref<10240x128xf32, #tpu.memory_space<vmem_shared>>
        tpu.enqueue_indirect_dma source(%arg15 : memref<80x128xf32, #tpu.memory_space<vmem>>) target(%dma_start3A_132 : memref<10240x128xf32, #tpu.memory_space<vmem_shared>>) offsets(%arg12 : memref<80xi32, #tpu.memory_space<vmem>>) semaphore(%run_scoped3A : memref<!tpu.dma_semaphore, #tpu.memory_space<semaphore_mem>>) {add = true}
        %dma_wait3A_133 = arith.constant 0 : i32
        %dma_wait3A_134 = arith.constant 0 : i32
        %dma_wait3A_135 = tpu.memref_slice %arg16[%dma_wait3A_133, %dma_wait3A_134] : memref<10240x128xf32, #tpu.memory_space<vmem_shared>> -> memref<10240x128xf32, #tpu.memory_space<vmem_shared>>
        tpu.wait_indirect_dma semaphore(%run_scoped3A : memref<!tpu.dma_semaphore, #tpu.memory_space<semaphore_mem>>) src(%arg15 : memref<80x128xf32, #tpu.memory_space<vmem>>) dst(%dma_wait3A_135 : memref<10240x128xf32, #tpu.memory_space<vmem_shared>>)
        tpu.yield
      }) : () -> ()
      %add3A_123 = arith.constant 3 : i32
      %add3A_124 = arith.addi %add3A_116, %add3A_123 : i32
      %lt3A_125 = arith.constant 125 : i32
      %lt3A_126 = arith.cmpi slt, %add3A_124, %lt3A_125 : i32
      %convert_element_type3A_127 = arith.extui %lt3A_126 : i1 to i32
      %cond3A_128 = arith.constant 0 : i32
      %cond3A_129 = arith.cmpi ne, %convert_element_type3A_127, %cond3A_128 : i32
      scf.if %cond3A_129 {
        %add3A_130 = arith.constant 3 : i32
        %add3A_131 = arith.addi %add3A_116, %add3A_130 : i32
        %mul3A_132 = arith.constant 80 : i32
        %mul3A_133 = arith.muli %add3A_131, %mul3A_132 : i32
        %add3A_134 = arith.addi %mul3A_4, %mul3A_133 : i32
        %multiple_of3A_135 = tpu.assume_multiple %add3A_134, 8 : i32
        %dma_start3A_136 = tpu.memref_slice %arg2[%multiple_of3A_135] : memref<320000xi32, #tpu.memory_space<hbm>> -> memref<80xi32, #tpu.memory_space<hbm>>
        %dma_start3A_137 = tpu.memref_slice %arg2[%multiple_of3A_135] : memref<320000xi32, #tpu.memory_space<hbm>> -> memref<80xi32, #tpu.memory_space<hbm>>
        tpu.enqueue_dma source(%dma_start3A_137 : memref<80xi32, #tpu.memory_space<hbm>>) target(%arg11 : memref<80xi32, #tpu.memory_space<vmem>>) target_semaphore(%arg19 : memref<!tpu.dma_semaphore, #tpu.memory_space<semaphore_mem>>)
        %mul3A_138 = arith.constant 80 : i32
        %mul3A_139 = arith.muli %add3A_131, %mul3A_138 : i32
        %add3A_140 = arith.addi %mul3A_4, %mul3A_139 : i32
        %multiple_of3A_141 = tpu.assume_multiple %add3A_140, 8 : i32
        %dma_start3A_142 = tpu.memref_slice %arg3[%multiple_of3A_141] : memref<320000xi32, #tpu.memory_space<hbm>> -> memref<80xi32, #tpu.memory_space<hbm>>
        %dma_start3A_143 = tpu.memref_slice %arg3[%multiple_of3A_141] : memref<320000xi32, #tpu.memory_space<hbm>> -> memref<80xi32, #tpu.memory_space<hbm>>
        tpu.enqueue_dma source(%dma_start3A_143 : memref<80xi32, #tpu.memory_space<hbm>>) target(%arg12 : memref<80xi32, #tpu.memory_space<vmem>>) target_semaphore(%arg19 : memref<!tpu.dma_semaphore, #tpu.memory_space<semaphore_mem>>)
        %dma_wait3A_144 = arith.constant 0 : i32
        %dma_wait3A_145 = tpu.memref_slice %arg2[%dma_wait3A_144] : memref<320000xi32, #tpu.memory_space<hbm>> -> memref<80xi32, #tpu.memory_space<hbm>>
        %dma_wait3A_146 = arith.constant 0 : i32
        %dma_wait3A_147 = tpu.memref_slice %arg2[%dma_wait3A_146] : memref<320000xi32, #tpu.memory_space<hbm>> -> memref<80xi32, #tpu.memory_space<hbm>>
        tpu.wait_dma2 semaphore(%arg19 : memref<!tpu.dma_semaphore, #tpu.memory_space<semaphore_mem>>) src(%dma_wait3A_147 : memref<80xi32, #tpu.memory_space<hbm>>) dst(%arg11 : memref<80xi32, #tpu.memory_space<vmem>>)
        %dma_wait3A_148 = arith.constant 0 : i32
        %dma_wait3A_149 = tpu.memref_slice %arg3[%dma_wait3A_148] : memref<320000xi32, #tpu.memory_space<hbm>> -> memref<80xi32, #tpu.memory_space<hbm>>
        %dma_wait3A_150 = arith.constant 0 : i32
        %dma_wait3A_151 = tpu.memref_slice %arg3[%dma_wait3A_150] : memref<320000xi32, #tpu.memory_space<hbm>> -> memref<80xi32, #tpu.memory_space<hbm>>
        tpu.wait_dma2 semaphore(%arg19 : memref<!tpu.dma_semaphore, #tpu.memory_space<semaphore_mem>>) src(%dma_wait3A_151 : memref<80xi32, #tpu.memory_space<hbm>>) dst(%arg12 : memref<80xi32, #tpu.memory_space<vmem>>)
        %dma_start3A_152 = arith.constant 0 : i32
        %dma_start3A_153 = arith.constant 0 : i32
        %dma_start3A_154 = tpu.memref_slice %arg4[%dma_start3A_152, %dma_start3A_153] : memref<10000x128xf32, #tpu.memory_space<hbm>> -> memref<10000x128xf32, #tpu.memory_space<hbm>>
        tpu.enqueue_indirect_dma source(%dma_start3A_154 : memref<10000x128xf32, #tpu.memory_space<hbm>>) target(%arg15 : memref<80x128xf32, #tpu.memory_space<vmem>>) offsets(%arg11 : memref<80xi32, #tpu.memory_space<vmem>>) semaphore(%arg22 : memref<!tpu.dma_semaphore, #tpu.memory_space<semaphore_mem>>)
      } else {
      }
    }
    %scan3A_69 = arith.constant 41 : i32
    %dma_wait3A_70 = arith.constant 0 : i32
    %dma_wait3A_71 = arith.constant 0 : i32
    %dma_wait3A_72 = tpu.memref_slice %arg4[%dma_wait3A_70, %dma_wait3A_71] : memref<10000x128xf32, #tpu.memory_space<hbm>> -> memref<80x128xf32, #tpu.memory_space<hbm>>
    %dma_wait3A_73 = arith.constant 0 : i32
    %dma_wait3A_74 = arith.constant 0 : i32
    %dma_wait3A_75 = tpu.memref_slice %arg4[%dma_wait3A_73, %dma_wait3A_74] : memref<10000x128xf32, #tpu.memory_space<hbm>> -> memref<80x128xf32, #tpu.memory_space<hbm>>
    tpu.wait_dma2 semaphore(%arg20 : memref<!tpu.dma_semaphore, #tpu.memory_space<semaphore_mem>>) src(%dma_wait3A_75 : memref<80x128xf32, #tpu.memory_space<hbm>>) dst(%arg13 : memref<80x128xf32, #tpu.memory_space<vmem>>)
    "tpu.region"() ({
      %run_scoped3A = tpu.sem_alloc : memref<!tpu.dma_semaphore, #tpu.memory_space<semaphore_mem>>
      %dma_start3A_87 = arith.constant 0 : i32
      %dma_start3A_88 = arith.constant 0 : i32
      %dma_start3A_89 = tpu.memref_slice %arg16[%dma_start3A_87, %dma_start3A_88] : memref<10240x128xf32, #tpu.memory_space<vmem_shared>> -> memref<10240x128xf32, #tpu.memory_space<vmem_shared>>
      tpu.enqueue_indirect_dma source(%arg13 : memref<80x128xf32, #tpu.memory_space<vmem>>) target(%dma_start3A_89 : memref<10240x128xf32, #tpu.memory_space<vmem_shared>>) offsets(%arg8 : memref<80xi32, #tpu.memory_space<vmem>>) semaphore(%run_scoped3A : memref<!tpu.dma_semaphore, #tpu.memory_space<semaphore_mem>>) {add = true}
      %dma_wait3A_90 = arith.constant 0 : i32
      %dma_wait3A_91 = arith.constant 0 : i32
      %dma_wait3A_92 = tpu.memref_slice %arg16[%dma_wait3A_90, %dma_wait3A_91] : memref<10240x128xf32, #tpu.memory_space<vmem_shared>> -> memref<10240x128xf32, #tpu.memory_space<vmem_shared>>
      tpu.wait_indirect_dma semaphore(%run_scoped3A : memref<!tpu.dma_semaphore, #tpu.memory_space<semaphore_mem>>) src(%arg13 : memref<80x128xf32, #tpu.memory_space<vmem>>) dst(%dma_wait3A_92 : memref<10240x128xf32, #tpu.memory_space<vmem_shared>>)
      tpu.yield
    }) : () -> ()
    %dma_wait3A_76 = arith.constant 0 : i32
    %dma_wait3A_77 = arith.constant 0 : i32
    %dma_wait3A_78 = tpu.memref_slice %arg4[%dma_wait3A_76, %dma_wait3A_77] : memref<10000x128xf32, #tpu.memory_space<hbm>> -> memref<80x128xf32, #tpu.memory_space<hbm>>
    %dma_wait3A_79 = arith.constant 0 : i32
    %dma_wait3A_80 = arith.constant 0 : i32
    %dma_wait3A_81 = tpu.memref_slice %arg4[%dma_wait3A_79, %dma_wait3A_80] : memref<10000x128xf32, #tpu.memory_space<hbm>> -> memref<80x128xf32, #tpu.memory_space<hbm>>
    tpu.wait_dma2 semaphore(%arg21 : memref<!tpu.dma_semaphore, #tpu.memory_space<semaphore_mem>>) src(%dma_wait3A_81 : memref<80x128xf32, #tpu.memory_space<hbm>>) dst(%arg14 : memref<80x128xf32, #tpu.memory_space<vmem>>)
    "tpu.region"() ({
      %run_scoped3A = tpu.sem_alloc : memref<!tpu.dma_semaphore, #tpu.memory_space<semaphore_mem>>
      %dma_start3A_87 = arith.constant 0 : i32
      %dma_start3A_88 = arith.constant 0 : i32
      %dma_start3A_89 = tpu.memref_slice %arg16[%dma_start3A_87, %dma_start3A_88] : memref<10240x128xf32, #tpu.memory_space<vmem_shared>> -> memref<10240x128xf32, #tpu.memory_space<vmem_shared>>
      tpu.enqueue_indirect_dma source(%arg14 : memref<80x128xf32, #tpu.memory_space<vmem>>) target(%dma_start3A_89 : memref<10240x128xf32, #tpu.memory_space<vmem_shared>>) offsets(%arg10 : memref<80xi32, #tpu.memory_space<vmem>>) semaphore(%run_scoped3A : memref<!tpu.dma_semaphore, #tpu.memory_space<semaphore_mem>>) {add = true}
      %dma_wait3A_90 = arith.constant 0 : i32
      %dma_wait3A_91 = arith.constant 0 : i32
      %dma_wait3A_92 = tpu.memref_slice %arg16[%dma_wait3A_90, %dma_wait3A_91] : memref<10240x128xf32, #tpu.memory_space<vmem_shared>> -> memref<10240x128xf32, #tpu.memory_space<vmem_shared>>
      tpu.wait_indirect_dma semaphore(%run_scoped3A : memref<!tpu.dma_semaphore, #tpu.memory_space<semaphore_mem>>) src(%arg14 : memref<80x128xf32, #tpu.memory_space<vmem>>) dst(%dma_wait3A_92 : memref<10240x128xf32, #tpu.memory_space<vmem_shared>>)
      tpu.yield
    }) : () -> ()
    %barrier3A_82 = arith.constant 0 : index
    tpu.barrier barrier_id(%barrier3A_82)
    %mul3A_83 = arith.constant 640 : i32
    %mul3A_84 = arith.muli %arg1, %mul3A_83 : i32
    %mul3A_85 = arith.constant 640 : i32
    %mul3A_86 = arith.muli %arg1, %mul3A_85 : i32
    "tpu.region"() ({
      %run_scoped3A = tpu.sem_alloc : memref<!tpu.dma_semaphore, #tpu.memory_space<semaphore_mem>>
      %dma_start3A_87 = arith.constant 0 : i32
      %dma_start3A_88 = tpu.memref_slice %arg6[%arg0, %mul3A_86, %dma_start3A_87] : memref<2x10240x128xf32, #tpu.memory_space<hbm>> -> memref<1x640x128xf32, #tpu.memory_space<hbm>>
      %dma_start3A_89 = tpu.memref_squeeze %dma_start3A_88 : memref<1x640x128xf32, #tpu.memory_space<hbm>> -> memref<640x128xf32, #tpu.memory_space<hbm>>
      %dma_start3A_90 = arith.constant 0 : i32
      %dma_start3A_91 = tpu.memref_slice %arg16[%mul3A_84, %dma_start3A_90] : memref<10240x128xf32, #tpu.memory_space<vmem_shared>> -> memref<640x128xf32, #tpu.memory_space<vmem_shared>>
      tpu.enqueue_dma source(%dma_start3A_91 : memref<640x128xf32, #tpu.memory_space<vmem_shared>>) target(%dma_start3A_89 : memref<640x128xf32, #tpu.memory_space<hbm>>) target_semaphore(%run_scoped3A : memref<!tpu.dma_semaphore, #tpu.memory_space<semaphore_mem>>)
      %dma_wait3A_92 = arith.constant 0 : i32
      %dma_wait3A_93 = tpu.memref_slice %arg6[%arg0, %mul3A_86, %dma_wait3A_92] : memref<2x10240x128xf32, #tpu.memory_space<hbm>> -> memref<1x640x128xf32, #tpu.memory_space<hbm>>
      %dma_wait3A_94 = tpu.memref_squeeze %dma_wait3A_93 : memref<1x640x128xf32, #tpu.memory_space<hbm>> -> memref<640x128xf32, #tpu.memory_space<hbm>>
      %dma_wait3A_95 = arith.constant 0 : i32
      %dma_wait3A_96 = tpu.memref_slice %arg16[%mul3A_84, %dma_wait3A_95] : memref<10240x128xf32, #tpu.memory_space<vmem_shared>> -> memref<640x128xf32, #tpu.memory_space<vmem_shared>>
      tpu.wait_dma2 semaphore(%run_scoped3A : memref<!tpu.dma_semaphore, #tpu.memory_space<semaphore_mem>>) src(%dma_wait3A_96 : memref<640x128xf32, #tpu.memory_space<vmem_shared>>) dst(%dma_wait3A_94 : memref<640x128xf32, #tpu.memory_space<hbm>>)
      tpu.yield
    }) : () -> ()
    return
  }
}

#map = affine_map<(d0, d1) -> (0)>
#map1 = affine_map<(d0, d1) -> (0, 0)>
#map2 = affine_map<(d0, d1) -> (0, 0, 0)>
module attributes {stable_mosaic.version = 14 : i64} {
  func.func @_deg_sc(%arg0: i32, %arg1: i32, %arg2: memref<320000xi32, #tpu.memory_space<hbm>>, %arg3: memref<80x128xf32, #tpu.memory_space<hbm>>, %arg4: memref<640x128xf32, #tpu.memory_space<hbm>>, %arg5: memref<2x10240x128xf32, #tpu.memory_space<hbm>>, %arg6: memref<80xi32, #tpu.memory_space<vmem>>, %arg7: memref<80xi32, #tpu.memory_space<vmem>>, %arg8: memref<80x128xf32, #tpu.memory_space<vmem>>, %arg9: memref<10240x128xf32, #tpu.memory_space<vmem_shared>>, %arg10: memref<!tpu.dma_semaphore, #tpu.memory_space<semaphore_mem>>, %arg11: memref<!tpu.dma_semaphore, #tpu.memory_space<semaphore_mem>>) attributes {dimension_semantics = [#tpu.dimension_semantics<core_parallel>, #tpu.dimension_semantics<subcore_parallel>], iteration_bounds = array<i64: 2, 16>, scalar_prefetch = 0 : i64, scratch_operands = 6 : i64, tpu.core_type = #tpu.core_type<sc_vector_subcore>, window_params = [{transform_indices = #map}, {transform_indices = #map1}, {transform_indices = #map1}, {transform_indices = #map2}]} {
    %mul3A = arith.constant 2 : i32
    %mul3A_0 = arith.muli %arg1, %mul3A : i32
    %add3A = arith.addi %mul3A_0, %arg0 : i32
    "tpu.region"() ({
      %run_scoped3A = tpu.sem_alloc : memref<!tpu.dma_semaphore, #tpu.memory_space<semaphore_mem>>
      tpu.enqueue_dma source(%arg3 : memref<80x128xf32, #tpu.memory_space<hbm>>) target(%arg8 : memref<80x128xf32, #tpu.memory_space<vmem>>) target_semaphore(%run_scoped3A : memref<!tpu.dma_semaphore, #tpu.memory_space<semaphore_mem>>)
      tpu.wait_dma2 semaphore(%run_scoped3A : memref<!tpu.dma_semaphore, #tpu.memory_space<semaphore_mem>>) src(%arg3 : memref<80x128xf32, #tpu.memory_space<hbm>>) dst(%arg8 : memref<80x128xf32, #tpu.memory_space<vmem>>)
      tpu.yield
    }) : () -> ()
    %mul3A_1 = arith.constant 640 : i32
    %mul3A_2 = arith.muli %arg1, %mul3A_1 : i32
    "tpu.region"() ({
      %run_scoped3A = tpu.sem_alloc : memref<!tpu.dma_semaphore, #tpu.memory_space<semaphore_mem>>
      %dma_start3A_21 = arith.constant 0 : i32
      %dma_start3A_22 = tpu.memref_slice %arg9[%mul3A_2, %dma_start3A_21] : memref<10240x128xf32, #tpu.memory_space<vmem_shared>> -> memref<640x128xf32, #tpu.memory_space<vmem_shared>>
      tpu.enqueue_dma source(%arg4 : memref<640x128xf32, #tpu.memory_space<hbm>>) target(%dma_start3A_22 : memref<640x128xf32, #tpu.memory_space<vmem_shared>>) target_semaphore(%run_scoped3A : memref<!tpu.dma_semaphore, #tpu.memory_space<semaphore_mem>>)
      %dma_wait3A_23 = arith.constant 0 : i32
      %dma_wait3A_24 = tpu.memref_slice %arg9[%mul3A_2, %dma_wait3A_23] : memref<10240x128xf32, #tpu.memory_space<vmem_shared>> -> memref<640x128xf32, #tpu.memory_space<vmem_shared>>
      tpu.wait_dma2 semaphore(%run_scoped3A : memref<!tpu.dma_semaphore, #tpu.memory_space<semaphore_mem>>) src(%arg4 : memref<640x128xf32, #tpu.memory_space<hbm>>) dst(%dma_wait3A_24 : memref<640x128xf32, #tpu.memory_space<vmem_shared>>)
      tpu.yield
    }) : () -> ()
    %barrier3A = arith.constant 0 : index
    tpu.barrier barrier_id(%barrier3A)
    %mul3A_3 = arith.constant 10000 : i32
    %mul3A_4 = arith.muli %add3A, %mul3A_3 : i32
    %add3A_5 = arith.constant 0 : i32
    %add3A_6 = arith.addi %mul3A_4, %add3A_5 : i32
    %multiple_of3A = tpu.assume_multiple %add3A_6, 8 : i32
    %dma_start3A = tpu.memref_slice %arg2[%multiple_of3A] : memref<320000xi32, #tpu.memory_space<hbm>> -> memref<80xi32, #tpu.memory_space<hbm>>
    %dma_start3A_7 = tpu.memref_slice %arg2[%multiple_of3A] : memref<320000xi32, #tpu.memory_space<hbm>> -> memref<80xi32, #tpu.memory_space<hbm>>
    tpu.enqueue_dma source(%dma_start3A_7 : memref<80xi32, #tpu.memory_space<hbm>>) target(%arg6 : memref<80xi32, #tpu.memory_space<vmem>>) target_semaphore(%arg10 : memref<!tpu.dma_semaphore, #tpu.memory_space<semaphore_mem>>)
    %scan3A = arith.constant 0 : i32
    %scan3A_8 = arith.constant 0 : i32
    %scan3A_9 = arith.constant 62 : i32
    %scan3A_10 = arith.addi %scan3A_8, %scan3A_9 : i32
    %scan3A_11 = arith.constant 1 : i32
    scf.for %scan3A_21 = %scan3A_8 to %scan3A_10 step %scan3A_11  : i32 {
      %mul3A_22 = arith.constant 2 : i32
      %mul3A_23 = arith.muli %mul3A_22, %scan3A_21 : i32
      %add3A_24 = arith.constant 1 : i32
      %add3A_25 = arith.addi %mul3A_23, %add3A_24 : i32
      %mul3A_26 = arith.constant 80 : i32
      %mul3A_27 = arith.muli %add3A_25, %mul3A_26 : i32
      %add3A_28 = arith.addi %mul3A_4, %mul3A_27 : i32
      %multiple_of3A_29 = tpu.assume_multiple %add3A_28, 8 : i32
      %dma_start3A_30 = tpu.memref_slice %arg2[%multiple_of3A_29] : memref<320000xi32, #tpu.memory_space<hbm>> -> memref<80xi32, #tpu.memory_space<hbm>>
      %dma_start3A_31 = tpu.memref_slice %arg2[%multiple_of3A_29] : memref<320000xi32, #tpu.memory_space<hbm>> -> memref<80xi32, #tpu.memory_space<hbm>>
      tpu.enqueue_dma source(%dma_start3A_31 : memref<80xi32, #tpu.memory_space<hbm>>) target(%arg7 : memref<80xi32, #tpu.memory_space<vmem>>) target_semaphore(%arg11 : memref<!tpu.dma_semaphore, #tpu.memory_space<semaphore_mem>>)
      %dma_wait3A_32 = arith.constant 0 : i32
      %dma_wait3A_33 = tpu.memref_slice %arg2[%dma_wait3A_32] : memref<320000xi32, #tpu.memory_space<hbm>> -> memref<80xi32, #tpu.memory_space<hbm>>
      %dma_wait3A_34 = arith.constant 0 : i32
      %dma_wait3A_35 = tpu.memref_slice %arg2[%dma_wait3A_34] : memref<320000xi32, #tpu.memory_space<hbm>> -> memref<80xi32, #tpu.memory_space<hbm>>
      tpu.wait_dma2 semaphore(%arg10 : memref<!tpu.dma_semaphore, #tpu.memory_space<semaphore_mem>>) src(%dma_wait3A_35 : memref<80xi32, #tpu.memory_space<hbm>>) dst(%arg6 : memref<80xi32, #tpu.memory_space<vmem>>)
      "tpu.region"() ({
        %run_scoped3A = tpu.sem_alloc : memref<!tpu.dma_semaphore, #tpu.memory_space<semaphore_mem>>
        %dma_start3A_48 = arith.constant 0 : i32
        %dma_start3A_49 = arith.constant 0 : i32
        %dma_start3A_50 = tpu.memref_slice %arg9[%dma_start3A_48, %dma_start3A_49] : memref<10240x128xf32, #tpu.memory_space<vmem_shared>> -> memref<10240x128xf32, #tpu.memory_space<vmem_shared>>
        tpu.enqueue_indirect_dma source(%arg8 : memref<80x128xf32, #tpu.memory_space<vmem>>) target(%dma_start3A_50 : memref<10240x128xf32, #tpu.memory_space<vmem_shared>>) offsets(%arg6 : memref<80xi32, #tpu.memory_space<vmem>>) semaphore(%run_scoped3A : memref<!tpu.dma_semaphore, #tpu.memory_space<semaphore_mem>>) {add = true}
        %dma_wait3A_51 = arith.constant 0 : i32
        %dma_wait3A_52 = arith.constant 0 : i32
        %dma_wait3A_53 = tpu.memref_slice %arg9[%dma_wait3A_51, %dma_wait3A_52] : memref<10240x128xf32, #tpu.memory_space<vmem_shared>> -> memref<10240x128xf32, #tpu.memory_space<vmem_shared>>
        tpu.wait_indirect_dma semaphore(%run_scoped3A : memref<!tpu.dma_semaphore, #tpu.memory_space<semaphore_mem>>) src(%arg8 : memref<80x128xf32, #tpu.memory_space<vmem>>) dst(%dma_wait3A_53 : memref<10240x128xf32, #tpu.memory_space<vmem_shared>>)
        tpu.yield
      }) : () -> ()
      %add3A_36 = arith.constant 2 : i32
      %add3A_37 = arith.addi %mul3A_23, %add3A_36 : i32
      %mul3A_38 = arith.constant 80 : i32
      %mul3A_39 = arith.muli %add3A_37, %mul3A_38 : i32
      %add3A_40 = arith.addi %mul3A_4, %mul3A_39 : i32
      %multiple_of3A_41 = tpu.assume_multiple %add3A_40, 8 : i32
      %dma_start3A_42 = tpu.memref_slice %arg2[%multiple_of3A_41] : memref<320000xi32, #tpu.memory_space<hbm>> -> memref<80xi32, #tpu.memory_space<hbm>>
      %dma_start3A_43 = tpu.memref_slice %arg2[%multiple_of3A_41] : memref<320000xi32, #tpu.memory_space<hbm>> -> memref<80xi32, #tpu.memory_space<hbm>>
      tpu.enqueue_dma source(%dma_start3A_43 : memref<80xi32, #tpu.memory_space<hbm>>) target(%arg6 : memref<80xi32, #tpu.memory_space<vmem>>) target_semaphore(%arg10 : memref<!tpu.dma_semaphore, #tpu.memory_space<semaphore_mem>>)
      %dma_wait3A_44 = arith.constant 0 : i32
      %dma_wait3A_45 = tpu.memref_slice %arg2[%dma_wait3A_44] : memref<320000xi32, #tpu.memory_space<hbm>> -> memref<80xi32, #tpu.memory_space<hbm>>
      %dma_wait3A_46 = arith.constant 0 : i32
      %dma_wait3A_47 = tpu.memref_slice %arg2[%dma_wait3A_46] : memref<320000xi32, #tpu.memory_space<hbm>> -> memref<80xi32, #tpu.memory_space<hbm>>
      tpu.wait_dma2 semaphore(%arg11 : memref<!tpu.dma_semaphore, #tpu.memory_space<semaphore_mem>>) src(%dma_wait3A_47 : memref<80xi32, #tpu.memory_space<hbm>>) dst(%arg7 : memref<80xi32, #tpu.memory_space<vmem>>)
      "tpu.region"() ({
        %run_scoped3A = tpu.sem_alloc : memref<!tpu.dma_semaphore, #tpu.memory_space<semaphore_mem>>
        %dma_start3A_48 = arith.constant 0 : i32
        %dma_start3A_49 = arith.constant 0 : i32
        %dma_start3A_50 = tpu.memref_slice %arg9[%dma_start3A_48, %dma_start3A_49] : memref<10240x128xf32, #tpu.memory_space<vmem_shared>> -> memref<10240x128xf32, #tpu.memory_space<vmem_shared>>
        tpu.enqueue_indirect_dma source(%arg8 : memref<80x128xf32, #tpu.memory_space<vmem>>) target(%dma_start3A_50 : memref<10240x128xf32, #tpu.memory_space<vmem_shared>>) offsets(%arg7 : memref<80xi32, #tpu.memory_space<vmem>>) semaphore(%run_scoped3A : memref<!tpu.dma_semaphore, #tpu.memory_space<semaphore_mem>>) {add = true}
        %dma_wait3A_51 = arith.constant 0 : i32
        %dma_wait3A_52 = arith.constant 0 : i32
        %dma_wait3A_53 = tpu.memref_slice %arg9[%dma_wait3A_51, %dma_wait3A_52] : memref<10240x128xf32, #tpu.memory_space<vmem_shared>> -> memref<10240x128xf32, #tpu.memory_space<vmem_shared>>
        tpu.wait_indirect_dma semaphore(%run_scoped3A : memref<!tpu.dma_semaphore, #tpu.memory_space<semaphore_mem>>) src(%arg8 : memref<80x128xf32, #tpu.memory_space<vmem>>) dst(%dma_wait3A_53 : memref<10240x128xf32, #tpu.memory_space<vmem_shared>>)
        tpu.yield
      }) : () -> ()
    }
    %scan3A_12 = arith.constant 62 : i32
    %dma_wait3A = arith.constant 0 : i32
    %dma_wait3A_13 = tpu.memref_slice %arg2[%dma_wait3A] : memref<320000xi32, #tpu.memory_space<hbm>> -> memref<80xi32, #tpu.memory_space<hbm>>
    %dma_wait3A_14 = arith.constant 0 : i32
    %dma_wait3A_15 = tpu.memref_slice %arg2[%dma_wait3A_14] : memref<320000xi32, #tpu.memory_space<hbm>> -> memref<80xi32, #tpu.memory_space<hbm>>
    tpu.wait_dma2 semaphore(%arg10 : memref<!tpu.dma_semaphore, #tpu.memory_space<semaphore_mem>>) src(%dma_wait3A_15 : memref<80xi32, #tpu.memory_space<hbm>>) dst(%arg6 : memref<80xi32, #tpu.memory_space<vmem>>)
    "tpu.region"() ({
      %run_scoped3A = tpu.sem_alloc : memref<!tpu.dma_semaphore, #tpu.memory_space<semaphore_mem>>
      %dma_start3A_21 = arith.constant 0 : i32
      %dma_start3A_22 = arith.constant 0 : i32
      %dma_start3A_23 = tpu.memref_slice %arg9[%dma_start3A_21, %dma_start3A_22] : memref<10240x128xf32, #tpu.memory_space<vmem_shared>> -> memref<10240x128xf32, #tpu.memory_space<vmem_shared>>
      tpu.enqueue_indirect_dma source(%arg8 : memref<80x128xf32, #tpu.memory_space<vmem>>) target(%dma_start3A_23 : memref<10240x128xf32, #tpu.memory_space<vmem_shared>>) offsets(%arg6 : memref<80xi32, #tpu.memory_space<vmem>>) semaphore(%run_scoped3A : memref<!tpu.dma_semaphore, #tpu.memory_space<semaphore_mem>>) {add = true}
      %dma_wait3A_24 = arith.constant 0 : i32
      %dma_wait3A_25 = arith.constant 0 : i32
      %dma_wait3A_26 = tpu.memref_slice %arg9[%dma_wait3A_24, %dma_wait3A_25] : memref<10240x128xf32, #tpu.memory_space<vmem_shared>> -> memref<10240x128xf32, #tpu.memory_space<vmem_shared>>
      tpu.wait_indirect_dma semaphore(%run_scoped3A : memref<!tpu.dma_semaphore, #tpu.memory_space<semaphore_mem>>) src(%arg8 : memref<80x128xf32, #tpu.memory_space<vmem>>) dst(%dma_wait3A_26 : memref<10240x128xf32, #tpu.memory_space<vmem_shared>>)
      tpu.yield
    }) : () -> ()
    %barrier3A_16 = arith.constant 0 : index
    tpu.barrier barrier_id(%barrier3A_16)
    %mul3A_17 = arith.constant 640 : i32
    %mul3A_18 = arith.muli %arg1, %mul3A_17 : i32
    %mul3A_19 = arith.constant 640 : i32
    %mul3A_20 = arith.muli %arg1, %mul3A_19 : i32
    "tpu.region"() ({
      %run_scoped3A = tpu.sem_alloc : memref<!tpu.dma_semaphore, #tpu.memory_space<semaphore_mem>>
      %dma_start3A_21 = arith.constant 0 : i32
      %dma_start3A_22 = tpu.memref_slice %arg5[%arg0, %mul3A_20, %dma_start3A_21] : memref<2x10240x128xf32, #tpu.memory_space<hbm>> -> memref<1x640x128xf32, #tpu.memory_space<hbm>>
      %dma_start3A_23 = tpu.memref_squeeze %dma_start3A_22 : memref<1x640x128xf32, #tpu.memory_space<hbm>> -> memref<640x128xf32, #tpu.memory_space<hbm>>
      %dma_start3A_24 = arith.constant 0 : i32
      %dma_start3A_25 = tpu.memref_slice %arg9[%mul3A_18, %dma_start3A_24] : memref<10240x128xf32, #tpu.memory_space<vmem_shared>> -> memref<640x128xf32, #tpu.memory_space<vmem_shared>>
      tpu.enqueue_dma source(%dma_start3A_25 : memref<640x128xf32, #tpu.memory_space<vmem_shared>>) target(%dma_start3A_23 : memref<640x128xf32, #tpu.memory_space<hbm>>) target_semaphore(%run_scoped3A : memref<!tpu.dma_semaphore, #tpu.memory_space<semaphore_mem>>)
      %dma_wait3A_26 = arith.constant 0 : i32
      %dma_wait3A_27 = tpu.memref_slice %arg5[%arg0, %mul3A_20, %dma_wait3A_26] : memref<2x10240x128xf32, #tpu.memory_space<hbm>> -> memref<1x640x128xf32, #tpu.memory_space<hbm>>
      %dma_wait3A_28 = tpu.memref_squeeze %dma_wait3A_27 : memref<1x640x128xf32, #tpu.memory_space<hbm>> -> memref<640x128xf32, #tpu.memory_space<hbm>>
      %dma_wait3A_29 = arith.constant 0 : i32
      %dma_wait3A_30 = tpu.memref_slice %arg9[%mul3A_18, %dma_wait3A_29] : memref<10240x128xf32, #tpu.memory_space<vmem_shared>> -> memref<640x128xf32, #tpu.memory_space<vmem_shared>>
      tpu.wait_dma2 semaphore(%run_scoped3A : memref<!tpu.dma_semaphore, #tpu.memory_space<semaphore_mem>>) src(%dma_wait3A_30 : memref<640x128xf32, #tpu.memory_space<vmem_shared>>) dst(%dma_wait3A_28 : memref<640x128xf32, #tpu.memory_space<hbm>>)
      tpu.yield
    }) : () -> ()
    return
  }
}

module attributes {stable_mosaic.version = 14 : i64} {
  func.func @_tc1_body(%arg0: i32, %arg1: memref<1024x128xf32, #tpu.memory_space<vmem>>, %arg2: memref<1024x1xf32, #tpu.memory_space<vmem>>, %arg3: memref<2x1024x128xf32, #tpu.memory_space<vmem>>, %arg4: memref<128x128xf32, #tpu.memory_space<vmem>>, %arg5: memref<1024x128xf32, #tpu.memory_space<vmem>>) attributes {dimension_semantics = [#tpu.dimension_semantics<arbitrary>], iteration_bounds = array<i64: 10>, scalar_prefetch = 0 : i64, scratch_operands = 0 : i64, tpu.core_type = #tpu.core_type<tc>, window_params = [{transform_indices = @transform_0, window_bounds = array<i64: 1024, 128>}, {transform_indices = @transform_1, window_bounds = array<i64: 1024, 1>}, {transform_indices = @transform_2, window_bounds = array<i64: 2, 1024, 128>}, {pipeline_mode = #tpu.pipeline_mode<synchronous>, transform_indices = @transform_3, window_bounds = array<i64: 128, 128>}, {transform_indices = @transform_4, window_bounds = array<i64: 1024, 128>}]} {
    %get3A = arith.constant 0 : index
    %get3A_0 = arith.constant 0 : index
    %get3A_1 = arith.constant 0 : index
    %get3A_2 = vector.load %arg3[%get3A, %get3A_0, %get3A_1] : memref<2x1024x128xf32, #tpu.memory_space<vmem>>, vector<2x1024x128xf32>
    %slice3A = vector.extract_strided_slice %get3A_2 {offsets = [0, 0, 0], sizes = [1, 1024, 1], strides = [1, 1, 1]} : vector<2x1024x128xf32> to vector<1x1024x1xf32>
    %squeeze3A = vector.shape_cast %slice3A : vector<1x1024x1xf32> to vector<1024xf32>
    %slice3A_3 = vector.extract_strided_slice %get3A_2 {offsets = [1, 0, 0], sizes = [1, 1024, 1], strides = [1, 1, 1]} : vector<2x1024x128xf32> to vector<1x1024x1xf32>
    %squeeze3A_4 = vector.shape_cast %slice3A_3 : vector<1x1024x1xf32> to vector<1024xf32>
    %add3A = arith.addf %squeeze3A, %squeeze3A_4 : vector<1024xf32>
    %gt3A = arith.constant 5.000000e-01 : f32
    %gt3A_5 = vector.broadcast %gt3A : f32 to vector<1024xf32>
    %gt3A_6 = arith.cmpf ogt, %add3A, %gt3A_5 : vector<1024xf32>
    %max3A = arith.constant 1.000000e+00 : f32
    %max3A_7 = vector.broadcast %max3A : f32 to vector<1024xf32>
    %max3A_8 = arith.maximumf %add3A, %max3A_7 : vector<1024xf32>
    %rsqrt3A = math.rsqrt %max3A_8 : vector<1024xf32>
    %jit3A = arith.constant 0.000000e+00 : f32
    %broadcast_in_dim3A = vector.broadcast %jit3A : f32 to vector<1024xf32>
    %select_n3A = arith.select %gt3A_6, %rsqrt3A, %broadcast_in_dim3A : vector<1024xi1>, vector<1024xf32>
    %get3A_9 = arith.constant 0 : index
    %get3A_10 = arith.constant 0 : index
    %get3A_11 = vector.load %arg1[%get3A_9, %get3A_10] : memref<1024x128xf32, #tpu.memory_space<vmem>>, vector<1024x128xf32>
    %get3A_12 = arith.constant 0 : index
    %get3A_13 = arith.constant 0 : index
    %get3A_14 = vector.load %arg2[%get3A_12, %get3A_13] : memref<1024x1xf32, #tpu.memory_space<vmem>>, vector<1024x1xf32>
    %mul3A = vector.broadcast %get3A_14 : vector<1024x1xf32> to vector<1024x128xf32>
    %mul3A_15 = arith.mulf %get3A_11, %mul3A : vector<1024x128xf32>
    %get3A_16 = arith.constant 0 : index
    %get3A_17 = arith.constant 0 : index
    %get3A_18 = vector.load %arg4[%get3A_16, %get3A_17] : memref<128x128xf32, #tpu.memory_space<vmem>>, vector<128x128xf32>
    %dot_general3A = arith.constant dense<0.000000e+00> : vector<1024x128xf32>
    %dot_general3A_19 = tpu.matmul %mul3A_15, %get3A_18, %dot_general3A {dimension_numbers = #tpu.dot_dimension_numbers<[1], [0], [0], [1], [0, 0, 1, 1], [], []>, transpose_lhs_hint = false} : vector<1024x128xf32>, vector<128x128xf32>, vector<1024x128xf32> -> vector<1024x128xf32>
    %broadcast_in_dim3A_20 = vector.shape_cast %select_n3A : vector<1024xf32> to vector<1024x1xf32>
    %mul3A_21 = vector.broadcast %broadcast_in_dim3A_20 : vector<1024x1xf32> to vector<1024x128xf32>
    %mul3A_22 = arith.mulf %dot_general3A_19, %mul3A_21 : vector<1024x128xf32>
    %swap3A = arith.constant 0 : index
    %swap3A_23 = arith.constant 0 : index
    %swap3A_24 = vector.load %arg5[%swap3A, %swap3A_23] : memref<1024x128xf32, #tpu.memory_space<vmem>>, vector<1024x128xf32>
    tpu.vector_store %arg5[%swap3A, %swap3A_23], %mul3A_22 {strides = array<i32>} : memref<1024x128xf32, #tpu.memory_space<vmem>>, vector<1024x128xf32>,
    return
  }
  func.func @transform_0(%arg0: i32) -> (i32, i32) {
    %c0_i32 = arith.constant 0 : i32
    %c0_i32_0 = arith.constant 0 : i32
    return %arg0, %c0_i32 : i32, i32
  }
  func.func @transform_1(%arg0: i32) -> (i32, i32) {
    %c0_i32 = arith.constant 0 : i32
    %c0_i32_0 = arith.constant 0 : i32
    return %arg0, %c0_i32 : i32, i32
  }
  func.func @transform_2(%arg0: i32) -> (i32, i32, i32) {
    %c0_i32 = arith.constant 0 : i32
    %c0_i32_0 = arith.constant 0 : i32
    %c0_i32_1 = arith.constant 0 : i32
    return %c0_i32, %arg0, %c0_i32_0 : i32, i32, i32
  }
  func.func @transform_3(%arg0: i32) -> (i32, i32) {
    %c0_i32 = arith.constant 0 : i32
    %c0_i32_0 = arith.constant 0 : i32
    %c0_i32_1 = arith.constant 0 : i32
    return %c0_i32, %c0_i32_0 : i32, i32
  }
  func.func @transform_4(%arg0: i32) -> (i32, i32) {
    %c0_i32 = arith.constant 0 : i32
    %c0_i32_0 = arith.constant 0 : i32
    return %arg0, %c0_i32 : i32, i32
  }
}

module attributes {stable_mosaic.version = 14 : i64} {
  func.func @_tc2_body(%arg0: i32, %arg1: memref<2x1024x128xf32, #tpu.memory_space<vmem>>, %arg2: memref<2x1024x128xf32, #tpu.memory_space<vmem>>, %arg3: memref<1024x128xf32, #tpu.memory_space<vmem>>, %arg4: memref<1024x1xf32, #tpu.memory_space<vmem>>, %arg5: memref<1x128xf32, #tpu.memory_space<vmem>>, %arg6: memref<128x128xf32, #tpu.memory_space<vmem>>, %arg7: memref<1x128xf32, #tpu.memory_space<vmem>>, %arg8: memref<1024x128xf32, #tpu.memory_space<vmem>>) attributes {dimension_semantics = [#tpu.dimension_semantics<arbitrary>], iteration_bounds = array<i64: 10>, scalar_prefetch = 0 : i64, scratch_operands = 0 : i64, tpu.core_type = #tpu.core_type<tc>, window_params = [{transform_indices = @transform_0, window_bounds = array<i64: 2, 1024, 128>}, {transform_indices = @transform_1, window_bounds = array<i64: 2, 1024, 128>}, {transform_indices = @transform_2, window_bounds = array<i64: 1024, 128>}, {transform_indices = @transform_3, window_bounds = array<i64: 1024, 1>}, {pipeline_mode = #tpu.pipeline_mode<synchronous>, transform_indices = @transform_4, window_bounds = array<i64: 1, 128>}, {pipeline_mode = #tpu.pipeline_mode<synchronous>, transform_indices = @transform_5, window_bounds = array<i64: 128, 128>}, {pipeline_mode = #tpu.pipeline_mode<synchronous>, transform_indices = @transform_6, window_bounds = array<i64: 1, 128>}, {transform_indices = @transform_7, window_bounds = array<i64: 1024, 128>}]} {
    %get3A = arith.constant 0 : index
    %get3A_0 = arith.constant 0 : index
    %get3A_1 = arith.constant 0 : index
    %get3A_2 = vector.load %arg2[%get3A, %get3A_0, %get3A_1] : memref<2x1024x128xf32, #tpu.memory_space<vmem>>, vector<2x1024x128xf32>
    %slice3A = vector.extract_strided_slice %get3A_2 {offsets = [0, 0, 0], sizes = [1, 1024, 1], strides = [1, 1, 1]} : vector<2x1024x128xf32> to vector<1x1024x1xf32>
    %squeeze3A = vector.shape_cast %slice3A : vector<1x1024x1xf32> to vector<1024xf32>
    %slice3A_3 = vector.extract_strided_slice %get3A_2 {offsets = [1, 0, 0], sizes = [1, 1024, 1], strides = [1, 1, 1]} : vector<2x1024x128xf32> to vector<1x1024x1xf32>
    %squeeze3A_4 = vector.shape_cast %slice3A_3 : vector<1x1024x1xf32> to vector<1024xf32>
    %add3A = arith.addf %squeeze3A, %squeeze3A_4 : vector<1024xf32>
    %gt3A = arith.constant 5.000000e-01 : f32
    %gt3A_5 = vector.broadcast %gt3A : f32 to vector<1024xf32>
    %gt3A_6 = arith.cmpf ogt, %add3A, %gt3A_5 : vector<1024xf32>
    %max3A = arith.constant 1.000000e+00 : f32
    %max3A_7 = vector.broadcast %max3A : f32 to vector<1024xf32>
    %max3A_8 = arith.maximumf %add3A, %max3A_7 : vector<1024xf32>
    %rsqrt3A = math.rsqrt %max3A_8 : vector<1024xf32>
    %jit3A = arith.constant 0.000000e+00 : f32
    %broadcast_in_dim3A = vector.broadcast %jit3A : f32 to vector<1024xf32>
    %select_n3A = arith.select %gt3A_6, %rsqrt3A, %broadcast_in_dim3A : vector<1024xi1>, vector<1024xf32>
    %get3A_9 = arith.constant 0 : index
    %get3A_10 = arith.constant 0 : index
    %get3A_11 = arith.constant 0 : index
    %get3A_12 = vector.load %arg1[%get3A_9, %get3A_10, %get3A_11] : memref<2x1024x128xf32, #tpu.memory_space<vmem>>, vector<1x1024x128xf32>
    %get3A_13 = vector.shape_cast %get3A_12 : vector<1x1024x128xf32> to vector<1024x128xf32>
    %get3A_14 = arith.constant 1 : index
    %get3A_15 = arith.constant 0 : index
    %get3A_16 = arith.constant 0 : index
    %get3A_17 = vector.load %arg1[%get3A_14, %get3A_15, %get3A_16] : memref<2x1024x128xf32, #tpu.memory_space<vmem>>, vector<1x1024x128xf32>
    %get3A_18 = vector.shape_cast %get3A_17 : vector<1x1024x128xf32> to vector<1024x128xf32>
    %add3A_19 = arith.addf %get3A_13, %get3A_18 : vector<1024x128xf32>
    %broadcast_in_dim3A_20 = vector.shape_cast %select_n3A : vector<1024xf32> to vector<1024x1xf32>
    %mul3A = vector.broadcast %broadcast_in_dim3A_20 : vector<1024x1xf32> to vector<1024x128xf32>
    %mul3A_21 = arith.mulf %add3A_19, %mul3A : vector<1024x128xf32>
    %get3A_22 = arith.constant 0 : index
    %get3A_23 = arith.constant 0 : index
    %get3A_24 = vector.load %arg5[%get3A_22, %get3A_23] : memref<1x128xf32, #tpu.memory_space<vmem>>, vector<1x128xf32>
    %add3A_25 = vector.broadcast %get3A_24 : vector<1x128xf32> to vector<1024x128xf32>
    %add3A_26 = arith.addf %mul3A_21, %add3A_25 : vector<1024x128xf32>
    %mul3A_27 = arith.constant 5.000000e-01 : f32
    %mul3A_28 = vector.broadcast %mul3A_27 : f32 to vector<1024x128xf32>
    %mul3A_29 = arith.mulf %add3A_26, %mul3A_28 : vector<1024x128xf32>
    %mul3A_30 = arith.constant 0.707106769 : f32
    %mul3A_31 = vector.broadcast %mul3A_30 : f32 to vector<1024x128xf32>
    %mul3A_32 = arith.mulf %add3A_26, %mul3A_31 : vector<1024x128xf32>
    %erf3A = math.erf %mul3A_32 : vector<1024x128xf32>
    %add3A_33 = arith.constant 1.000000e+00 : f32
    %add3A_34 = vector.broadcast %add3A_33 : f32 to vector<1024x128xf32>
    %add3A_35 = arith.addf %add3A_34, %erf3A : vector<1024x128xf32>
    %mul3A_36 = arith.mulf %mul3A_29, %add3A_35 : vector<1024x128xf32>
    %get3A_37 = arith.constant 0 : index
    %get3A_38 = arith.constant 0 : index
    %get3A_39 = vector.load %arg6[%get3A_37, %get3A_38] : memref<128x128xf32, #tpu.memory_space<vmem>>, vector<128x128xf32>
    %dot_general3A = arith.constant dense<0.000000e+00> : vector<1024x128xf32>
    %dot_general3A_40 = tpu.matmul %mul3A_36, %get3A_39, %dot_general3A {dimension_numbers = #tpu.dot_dimension_numbers<[1], [0], [0], [1], [0, 0, 1, 1], [], []>, transpose_lhs_hint = false} : vector<1024x128xf32>, vector<128x128xf32>, vector<1024x128xf32> -> vector<1024x128xf32>
    %get3A_41 = arith.constant 0 : index
    %get3A_42 = arith.constant 0 : index
    %get3A_43 = vector.load %arg7[%get3A_41, %get3A_42] : memref<1x128xf32, #tpu.memory_space<vmem>>, vector<1x128xf32>
    %add3A_44 = vector.broadcast %get3A_43 : vector<1x128xf32> to vector<1024x128xf32>
    %add3A_45 = arith.addf %dot_general3A_40, %add3A_44 : vector<1024x128xf32>
    %get3A_46 = arith.constant 0 : index
    %get3A_47 = arith.constant 0 : index
    %get3A_48 = vector.load %arg3[%get3A_46, %get3A_47] : memref<1024x128xf32, #tpu.memory_space<vmem>>, vector<1024x128xf32>
    %get3A_49 = arith.constant 0 : index
    %get3A_50 = arith.constant 0 : index
    %get3A_51 = vector.load %arg4[%get3A_49, %get3A_50] : memref<1024x1xf32, #tpu.memory_space<vmem>>, vector<1024x1xf32>
    %gt3A_52 = arith.constant 0.000000e+00 : f32
    %gt3A_53 = vector.broadcast %gt3A_52 : f32 to vector<1024x1xf32>
    %gt3A_54 = arith.cmpf ogt, %get3A_51, %gt3A_53 : vector<1024x1xf32>
    %add3A_55 = arith.addf %get3A_48, %add3A_45 : vector<1024x128xf32>
    %broadcast_in_dim3A_56 = vector.shape_cast %gt3A_54 : vector<1024x1xi1> to vector<1024x1xi1>
    %broadcast_in_dim3A_57 = vector.broadcast %broadcast_in_dim3A_56 : vector<1024x1xi1> to vector<1024x128xi1>
    %select_n3A_58 = arith.select %broadcast_in_dim3A_57, %add3A_55, %get3A_48 : vector<1024x128xi1>, vector<1024x128xf32>
    %swap3A = arith.constant 0 : index
    %swap3A_59 = arith.constant 0 : index
    %swap3A_60 = vector.load %arg8[%swap3A, %swap3A_59] : memref<1024x128xf32, #tpu.memory_space<vmem>>, vector<1024x128xf32>
    tpu.vector_store %arg8[%swap3A, %swap3A_59], %select_n3A_58 {strides = array<i32>} : memref<1024x128xf32, #tpu.memory_space<vmem>>, vector<1024x128xf32>,
    return
  }
  func.func @transform_0(%arg0: i32) -> (i32, i32, i32) {
    %c0_i32 = arith.constant 0 : i32
    %c0_i32_0 = arith.constant 0 : i32
    %c0_i32_1 = arith.constant 0 : i32
    return %c0_i32, %arg0, %c0_i32_0 : i32, i32, i32
  }
  func.func @transform_1(%arg0: i32) -> (i32, i32, i32) {
    %c0_i32 = arith.constant 0 : i32
    %c0_i32_0 = arith.constant 0 : i32
    %c0_i32_1 = arith.constant 0 : i32
    return %c0_i32, %arg0, %c0_i32_0 : i32, i32, i32
  }
  func.func @transform_2(%arg0: i32) -> (i32, i32) {
    %c0_i32 = arith.constant 0 : i32
    %c0_i32_0 = arith.constant 0 : i32
    return %arg0, %c0_i32 : i32, i32
  }
  func.func @transform_3(%arg0: i32) -> (i32, i32) {
    %c0_i32 = arith.constant 0 : i32
    %c0_i32_0 = arith.constant 0 : i32
    return %arg0, %c0_i32 : i32, i32
  }
  func.func @transform_4(%arg0: i32) -> (i32, i32) {
    %c0_i32 = arith.constant 0 : i32
    %c0_i32_0 = arith.constant 0 : i32
    %c0_i32_1 = arith.constant 0 : i32
    return %c0_i32, %c0_i32_0 : i32, i32
  }
  func.func @transform_5(%arg0: i32) -> (i32, i32) {
    %c0_i32 = arith.constant 0 : i32
    %c0_i32_0 = arith.constant 0 : i32
    %c0_i32_1 = arith.constant 0 : i32
    return %c0_i32, %c0_i32_0 : i32, i32
  }
  func.func @transform_6(%arg0: i32) -> (i32, i32) {
    %c0_i32 = arith.constant 0 : i32
    %c0_i32_0 = arith.constant 0 : i32
    %c0_i32_1 = arith.constant 0 : i32
    return %c0_i32, %c0_i32_0 : i32, i32
  }
  func.func @transform_7(%arg0: i32) -> (i32, i32) {
    %c0_i32 = arith.constant 0 : i32
    %c0_i32_0 = arith.constant 0 : i32
    return %arg0, %c0_i32 : i32, i32
  }
}

</mosaic_0001>

<sc_bundles>
// kernel: kernel.6.cloned.1.call-start
scs
__scs_entry_jumppad:
0x0: {  	(pc) =	sbr.rel $0x88, $3  }
0x1: {  	(tag) =	ssettag $0x0;
	lr =	simm.s32 $0x1  }
0x2: {  	[smem:$0x3F9A] =	sst lr;
	_ =	strace $0xD0000000  }
0x3: {  	_ = 	snop  }
0x4: {  	_ = 	snop  }
0x5: {  	_ = 	snop  }
0x6: {  	_ = 	snop  }
0x7: {  	_ = 	snop  }
__scs_overlays_trampoline_lowered:
0x8: {  	[smem:$0x3FA9] =	sst s0  }
0x9: {  	[smem:$0x3FAA] =	sst s1  }
0xa: {  	[smem:$0x3FAB] =	sst s2  }
0xb: {  	[smem:$0x3FAC] =	sst s3  }
0xc: {  	[smem:$0x3FAD] =	sst s4  }
0xd: {  	[smem:$0x3FAE] =	sst s5  }
0xe: {  	[smem:$0x3FAF] =	sst s6  }
0xf: {  	[smem:$0x3FB0] =	sst s7  }
0x10: {  	[smem:$0x3FB1] =	sst s8  }
0x11: {  	[smem:$0x3FB2] =	sst s9;
	s0 =	simm.s32 @!p0 $0x0  }
0x12: {  	s1 =	sld [smem:$0x3F98];
	s0 =	simm.s32 @p0 $0x1  }
0x13: {  	[smem:$0x3FB3] =	sst s0;
	s0 =	simm.s32 @!p1 $0x0  }
0x14: {  	s2 =	sld [smem:$0x3F97];
	s0 =	simm.s32 @p1 $0x1  }
0x15: {  	[smem:$0x3FB4] =	sst s0;
	s0 =	simm.s32 @!p2 $0x0  }
0x16: {  	s3 =	sld [smem:$0x3FDB];
	s0 =	simm.s32 @p2 $0x1  }
0x17: {  	s4 =	simm.s32 $0x1BF5;
	[smem:$0x3FB6] =	sst s0  }
0x18: {  	s0 =	sld [smem:$0x3F99];
	_ =	swait.ge [sflag:s4], $0x0  }
0x19: {  	s7 =	sld [smem:$0x3F9A]  }
0x1a: {  	s8 =	sadd.s32 $0xFFFFE003, lr  }
0x1b: {  	s9 =	sadd.s32 $0xFFFFFEF7, lr;
	s5 =	simm.s32 $0xFFFFFFFF;
	p2 =	slt.u32 s8, $0xFFFFF086  }
0x1c: {  	p1 =	slt.u32 s9, $0xF7A;
	s5 =	simm.s32 @!p2 $0x0  }
0x1d: {  	s5 =	simm.s32 @p1 $0x1;
	p0 =	seq.s32 s7, s2  }
0x1e: {  	s7 =	smul.u32 @!p0 $0xF7A, s2;
	p2 =	seq.s32 @!p0 s5, $0x0  }
0x1f: {  	s9 =	smul.u32 $0xF7A, s1;
	s8 =	simm.s32 @!p0 $0x1BF5;
	p2 =	por !p2, p0  }
0x20: {  	[sflag:s8] =	ssyncset.s32 @!p0 $0xFFFFF086;
	s6 =	sadd.s32 @!p0 s3, s7;
	s7 =	simm.s32 @!p0 $0x108  }
0x21: {  	s3 =	sadd.s32 s3, s9;
	s6 =	sadd.s32 @!p0 $0x88, s6;
	s7 =	simm.s32 @p2 $0x1082  }
0x22: {  	[simem:s7], [sflag:s8] =	dma.local @!p0 [hbm:s6], $0xF7A  }
0x23: {  	s9 =	sor.u32 $0xD0000000, s2;
	s6 =	simm.s32 $0x108;
	_ =	swait.ge @!p0 [sflag:s8], $0x0  }
0x24: {  	s3 =	sadd.s32 $0x88, s3;
	s6 =	simm.s32 @!p1 $0x1082;
	[sflag:s4] =	ssyncset.s32 $0xFFFFF086  }
0x25: {  	[simem:s6], [sflag:s4] =	dma.local [hbm:s3], $0xF7A  }
0x26: {  	[smem:$0x3F9A] =	sst s1;
	(tag) =	ssettag s2;
	_ =	strace s9  }
0x27: {  	s1 =	sld [smem:$0x3FAA]  }
0x28: {  	s2 =	sld [smem:$0x3FAB]  }
0x29: {  	s4 =	sld [smem:$0x3FAD]  }
0x2a: {  	p0 =	seq.s32 s5, $0x0;
	s5 =	sld [smem:$0x3FAE]  }
0x2b: {  	s6 =	sld [smem:$0x3FAF]  }
0x2c: {  	s7 =	sld [smem:$0x3FB0]  }
0x2d: {  	s3 =	simm.s32 $0x108;
	s8 =	sld [smem:$0x3FB1]  }
0x2e: {  	s3 =	simm.s32 @!p0 $0x1082;
	s9 =	sld [smem:$0x3FB2]  }
0x2f: {  	lr =	sadd.s32 s0, s3;
	s0 =	sld [smem:$0x3FA9]  }
0x30: {  	s3 =	sld [smem:$0x3FAC]  }
0x31: {  	[smem:$0x3FB5] =	sst s10  }
0x32: {  	s10 =	sld [smem:$0x3FB3];
	_ =	sdelay $0x3  }
0x33: {  	p0 =	seq.s32 s10, $0x1;
	s10 =	sld [smem:$0x3FB5];
	_ =	sdelay $0x3  }
0x34: {  	[smem:$0x3FB5] =	sst s10  }
0x35: {  	s10 =	sld [smem:$0x3FB4];
	_ =	sdelay $0x3  }
0x36: {  	p1 =	seq.s32 s10, $0x1;
	s10 =	sld [smem:$0x3FB5];
	_ =	sdelay $0x3  }
0x37: {  	[smem:$0x3FB5] =	sst s10  }
0x38: {  	s10 =	sld [smem:$0x3FB6]  }
0x39: {  	_ = 	snop;
	(pc) =	sbr.ind lr, $3  }
0x3a: {  	_ = 	snop  }
0x3b: {  	_ = 	snop  }
0x3c: {  	p2 =	seq.s32 s10, $0x1;
	s10 =	sld [smem:$0x3FB5]  }
0x3d: {  	_ =	shalt  }
0x3e: {  	_ =	shalt  }
0x3f: {  	_ =	shalt  }
0x40: {  	_ =	shalt  }
0x41: {  	_ =	shalt  }
0x42: {  	_ =	shalt  }
0x43: {  	_ =	shalt  }
0x44: {  	_ =	shalt  }
0x45: {  	_ =	shalt  }
0x46: {  	_ =	shalt  }
0x47: {  	_ =	shalt  }
0x48: {  	_ =	shalt  }
0x49: {  	_ =	shalt  }
0x4a: {  	_ =	shalt  }
0x4b: {  	_ =	shalt  }
0x4c: {  	_ =	shalt  }
0x4d: {  	_ =	shalt  }
0x4e: {  	_ =	shalt  }
0x4f: {  	_ =	shalt  }
0x50: {  	_ =	shalt  }
0x51: {  	_ =	shalt  }
0x52: {  	_ =	shalt  }
0x53: {  	_ =	shalt  }
0x54: {  	_ =	shalt  }
0x55: {  	_ =	shalt  }
0x56: {  	_ =	shalt  }
0x57: {  	_ =	shalt  }
0x58: {  	_ =	shalt  }
0x59: {  	_ =	shalt  }
0x5a: {  	_ =	shalt  }
0x5b: {  	_ =	shalt  }
0x5c: {  	_ =	shalt  }
0x5d: {  	_ =	shalt  }
0x5e: {  	_ =	shalt  }
0x5f: {  	_ =	shalt  }
0x60: {  	_ =	shalt  }
0x61: {  	_ =	shalt  }
0x62: {  	_ =	shalt  }
0x63: {  	_ =	shalt  }
0x64: {  	_ =	shalt  }
0x65: {  	_ =	shalt  }
0x66: {  	_ =	shalt  }
0x67: {  	_ =	shalt  }
0x68: {  	_ =	shalt  }
0x69: {  	_ =	shalt  }
0x6a: {  	_ =	shalt  }
0x6b: {  	_ =	shalt  }
0x6c: {  	_ =	shalt  }
0x6d: {  	_ =	shalt  }
0x6e: {  	_ =	shalt  }
0x6f: {  	_ =	shalt  }
0x70: {  	_ =	shalt  }
0x71: {  	_ =	shalt  }
0x72: {  	_ =	shalt  }
0x73: {  	_ =	shalt  }
0x74: {  	_ =	shalt  }
0x75: {  	_ =	shalt  }
0x76: {  	_ =	shalt  }
0x77: {  	_ =	shalt  }
0x78: {  	_ =	shalt  }
0x79: {  	_ =	shalt  }
0x7a: {  	_ =	shalt  }
0x7b: {  	_ =	shalt  }
0x7c: {  	_ =	shalt  }
0x7d: {  	_ =	shalt  }
0x7e: {  	_ =	shalt  }
0x7f: {  	_ =	shalt  }
0x80: {  	_ =	shalt  }
0x81: {  	_ =	shalt  }
0x82: {  	_ =	shalt  }
0x83: {  	_ =	shalt  }
0x84: {  	_ =	shalt  }
0x85: {  	_ =	shalt  }
0x86: {  	_ =	shalt  }
0x87: {  	_ =	shalt  }
.Lfunc_end0:
.L_simem_size_0:
called_computation_lowered:
.L_overlay_start_0:
0x88: {  	s2 =	sld [smem:$0x3FD9]  }
0x89: {  	s3 =	sld [smem:$0x3FFE];
	_ =	sdelay $0x1  }
0x8a: {  	s1 =	srdreg.scid  }
0x8b: {  	s0 =	sand.u32 $0x1, s1  }
0x8c: {  	s17 =	sshll.u32 s0, $0xA;
	s2 =	sadd.s32 s3, s2  }
0x8d: {  	s2 =	sadd.s32 s2, s17  }
0x8e: {  	[smem:$0x3FC1] =	sst s2  }
0x8f: {  	_ = 	snop  }
0x90: {  	s2 =	sld [smem:$0x3FD0];
	(tm) =	ssettm $0x1  }
0x91: {  	s18 =	sld [smem:$0x3FFB];
	_ =	sdelay $0x3  }
0x92: {  	_ =	strace s18  }
0x93: {  	s3 =	sld [smem:$0x3FFC];
	_ =	sdelay $0x3  }
0x94: {  	_ =	strace s3  }
0x95: {  	s3 =	sld [smem:$0x3FFD];
	_ =	sdelay $0x3  }
0x96: {  	_ =	strace s3  }
0x97: {  	_ =	strace $0x8FFFFFFF  }
0x98: {  	s19 =	sld [smem:$0x3FDB];
	_ =	sdelay $0x1  }
0x99: {  	s4 =	simm.s32 $_scs_section_size  }
0x9a: {  	s5 =	simm.s32 $_size__tile_overlayer_lowered;
	s6 =	simm.s32 $_tile_overlayer_lowered  }
0x9b: {  	s22 =	simm.s32 $0x1BFF;
	s21 =	sshll.u32 s6, $0x1;
	s3 =	sadd.s32 s4, s19  }
0x9c: {  	s7 =	simm.s32 $0x0;
	s20 =	sshll.u32 s5, $0x1;
	s5 =	sadd.s32 s21, s3  }
0x9d: {  	[timem:s7], [sflag:s22] =	dma.local [hbm:s5], s20  }
0x9e: {  	_ =	swait.ge [sflag:s22], s20  }
0x9f: {  	s4 =	ssub.s32 $0x0, s20;
	[sflag:s22] =	ssyncset.done $0x0  }
0xa0: {  	[sflag:s22] =	ssyncadd.s32 s4;
	_ =	sdelay $0x1  }
0xa1: {  	s23 =	simm.s32 $0x1B8B  }
0xa2: {  	_ =	swait.ge [sflag:s23], $0x1  }
0xa3: {  	[sflag:s23] =	ssyncset.done $0x0  }
0xa4: {  	s25 =	simm.s32 $0x1B8E;
	s24 =	sld [smem:$0x3FFE];
	[sflag:s23] =	ssyncadd.s32 $0xFFFFFFFF  }
0xa5: {  	s26 =	simm.s32 $execute0_lowered;
	[smem:$0x3FD2] =	sst s25  }
0xa6: {  	s5 =	sshll.u32 s26, $0x1;
	_ =	strace $0x80000046;
	[dreg:$0x1] =	wrdreg $0xFFFFFFFF  }
0xa7: {  	s28 =	simm.s32 $_size_execute0_lowered;
	s3 =	sadd.s32 s3, s5;
	[dreg:$0x0] =	wrdreg $0x0  }
0xa8: {  	s5 =	sshll.u32 s28, $0x1;
	[dreg:$0x2] =	wrdreg s3  }
0xa9: {  	[dreg:$0x3] =	wrdreg s5  }
0xaa: {  	[dreg:$0x4] =	wrdreg $0xC0  }
0xab: {  	_ =	task [dreg:s7], $0x5FFFF  }
0xac: {  	[dreg:$0x1] =	wrdreg $0xFFFFFFFF  }
0xad: {  	[dreg:$0x0] =	wrdreg $0x60  }
0xae: {  	[dreg:$0x2] =	wrdreg s24  }
0xaf: {  	[dreg:$0x3] =	wrdreg s2  }
0xb0: {  	[dreg:$0x4] =	wrdreg $0x29000  }
0xb1: {  	[dreg:$0x5] =	wrdreg $0x9  }
0xb2: {  	_ =	task.clear_ibuf [dreg:s7], $0x6FFFF;
	_ =	strace $0x90000046  }
0xb3: {  	s29 =	simm.s32 $0x9;
	_ =	strace $0x80000048  }
0xb4: {  	_ =	swait.ge [sflag:s29], $0x1  }
0xb5: {  	[sflag:s29] =	ssyncadd.s32 $0xFFFFFFFF  }
0xb6: {  	_ =	strace $0x90000048  }
0xb7: {  	_ =	sfence  }
0xb8: {  	s30 =	sld [smem:$0x0];
	_ =	sdelay $0x2  }
0xb9: {  	s31 =	sshll.u32 s1, $0xD;
	s1 =	sshrl.u32 s1, $0x2  }
0xba: {  	s3 =	sand.u32 $0x4000, s31;
	s1 =	sadd.s32 s1, s30  }
0xbb: {  	s0 =	sor.u32 s3, s0;
	s1 =	sshll.u32 s1, $0x11  }
0xbc: {  	s0 =	sor.u32 s1, s0  }
0xbd: {  	s0 =	sadd.s32 $0x8F2B, s0  }
0xbe: {  	[sflag:s0] =	ssyncadd.remote.s32 $0x1  }
0xbf: {  	_ =	sfence.sel $0xFFFF  }
0xc0: {  	[dreg:$0x0] =	wrdreg $0xFFFFFFFF;
	(pc) =	sbr.abs _section_cstart, $3  }
0xc1: {  	[dreg:$0x1] =	wrdreg $0xFFFFFFFF  }
0xc2: {  	_ =	task.clear_ibuf [dreg:s7], $0x2FFFF;
	_ =	strace $0x9FFFFFFF  }
0xc3: {  	(tm) =	ssettm $0x7FFFFFFF  }
tec
execute0_lowered:
.L_overlay_start_1:
0x0: {  	(tag) =	ssettag $0x1  }
0x1: {  	s7 =	rddreg [dreg:$0x0]  }
0x2: {  	s1 =	rddreg [dreg:$0x1]  }
0x3: {  	s3 =	rddreg [dreg:$0x2]  }
0x4: {  	s2 =	srdreg.scid;
	s0 =	rddreg [dreg:$0x3]  }
0x5: {  	s4 =	simm.s32 $0x0;
	s16 =	simm.s32 $0x80;
	s6 =	sand.u32 $0x1, s2  }
0x6: {  	s17 =	simm.s32 $0x1;
	s2 =	stileid.u32;
	s8 =	smul.u32 $0x140000, s6  }
0x7: {  	s18 =	simm.s32 $0x50;
	s19 =	simm.s32 $0x2;
	s9 =	smul.u32 $0x14000, s2  }
0x8: {  	s20 =	simm.s32 $0x0;
	[smem:$0x7FF] =	sst s4;
	s11 =	smul.u32 $0x50000, s2  }
0x9: {  	s5 =	sshll.u32 s2, $0x1;
	_ =	strace $0x80000047;
	s12 =	smul.u32 $0x4E20, s2  }
0xa: {  	s25 =	ssub.s32 $0x2, s6;
	s14 =	smul.u32 $0x2710, s6;
	s31 =	sshll.u32 s2, $0x6  }
0xb: {  	s10 =	sor.u32 s6, s5;
	s5 =	sadd.s32 $0x1600, s7;
	s13 =	sshrl.u32 s25, $0x1  }
0xc: {  	s6 =	sadd.s32 $0x15200, s7;
	s10 =	smul.u32 $0x2710, s10;
	s8 =	sadd.s32 s9, s8  }
0xd: {  	s9 =	ssub.s32 s25, s13;
	s26 =	sshrl.u32 s11, $0x2;
	s28 =	sadd.s32 s14, s12  }
0xe: {  	s12 =	simm.s32 $0x100;
	s13 =	simm.s32 $0x3;
	s14 =	sor.u32 $0x1C03, s31  }
0xf: {  	s8 =	sshrl.u32 s8, $0x3;
	s15 =	sadd.s32 s26, s3;
	s29 =	sadd.s32 $0x50, s28  }
0x10: {  	s9 =	smax.u32 s9, $0x1;
	s8 =	sadd.s32 s8, s7;
	s10 =	sshrl.u32 s10, $0x3  }
0x11: {  	s30 =	sshrl.u32 s29, $0x3;
	s15 =	sshrl.u32 s15, $0x3;
	s7 =	sadd.s32 s5, s10  }
0x12: {  	s8 =	sadd.s32 $0x17A00, s8;
	s10 =	sadd.s32 $0xA0, s28;
	s11 =	sadd.s32 s30, s5  }
.LBB2_1:
0x13: {  	[tilespmem:s12], [sflag:$0x3] =	stream.linear.gather [hbm4b:s1+s4], $0x2800, $0x38;
	[tilespmem:$0x16900] =	vst v63  }
0x14: {  	_ =	swait.ge [sflag:s13], $0x2800  }
0x15: {  	[sflag:s13] =	ssyncset.done $0x0  }
0x16: {  	[sflag:s13] =	ssyncadd.s32 $0xFFFFD800  }
0x17: {  	[spmem:s15], [sflag:s14] =	dma.local [hbm:s6], $0x2800  }
0x18: {  	_ =	swait.ge [sflag:s13], $0x2800  }
0x19: {  	[sflag:s13] =	ssyncset.done $0x0  }
0x1a: {  	[sflag:s13] =	ssyncadd.s32 $0xFFFFD800  }
0x1b: {  	[bflag:$0x0] =	sbarrier.arrive $0xFFFF  }
0x1c: {  	[tilespmem:s4], [sflag:$0x1] =	stream.linear.gather [hbm4b:s7+s4], $0x50, $0x38;
	[tilespmem:$0x16900] =	vst v63  }
0x1d: {  	s21 =	sadd.s32 $0x0, s11  }
0x1e: {  	[tilespmem:s16], [sflag:$0x2] =	stream.linear.gather [hbm4b:s21+s4], $0x50, $0x38;
	[tilespmem:$0x16900] =	vst v63  }
0x1f: {  	_ =	swait.ge [sflag:s17], $0x50  }
0x20: {  	[sflag:s17] =	ssyncset.done $0x0  }
0x21: {  	[sflag:s17] =	ssyncadd.s32 $0xFFFFFFB0  }
0x22: {  	[spmem:s3] =	stream.indirect.scatter.add.f32 [tilespmem:s12], [sflag:$0x3], $0x80, s4, s18, $0xb8;
	[tilespmem:$0x16900] =	vst v63  }
0x23: {  	_ =	swait.ge [sflag:s13], $0x2800  }
0x24: {  	s31 =	sshrl.u32 s10, $0x3;
	[sflag:s13] =	ssyncset.done $0x0  }
0x25: {  	s21 =	sadd.s32 s5, s31;
	[sflag:s13] =	ssyncadd.s32 $0xFFFFD800  }
0x26: {  	[tilespmem:s4], [sflag:$0x1] =	stream.linear.gather [hbm4b:s21+s4], $0x50, $0x38;
	[tilespmem:$0x16900] =	vst v63  }
0x27: {  	_ =	swait.ge [sflag:s19], $0x50  }
0x28: {  	[sflag:s19] =	ssyncset.done $0x0  }
0x29: {  	[sflag:s19] =	ssyncadd.s32 $0xFFFFFFB0  }
0x2a: {  	[spmem:s3] =	stream.indirect.scatter.add.f32 [tilespmem:s12], [sflag:$0x3], $0x80, s16, s18, $0xb8;
	[tilespmem:$0x16900] =	vst v63  }
0x2b: {  	s22 =	simm.s32 $0x14;
	_ =	swait.ge [sflag:s13], $0x2800  }
0x2c: {  	s23 =	simm.s32 $0x28;
	s21 =	sadd.s32 $0xA0, s10;
	[sflag:s13] =	ssyncset.done $0x0  }
.LBB2_2:
0x2d: {  	s24 =	sadd.s32 s22, s11  }
0x2e: {  	[sflag:s13] =	ssyncadd.s32 $0xFFFFD800;
	s22 =	smov.u32 s23;
	s25 =	sadd.s32 $0x14, s23  }
0x2f: {  	[tilespmem:s16], [sflag:$0x2] =	stream.linear.gather [hbm4b:s24+s4], $0x50, $0x38;
	[tilespmem:$0x16900] =	vst v63  }
0x30: {  	p0 =	sne.s32 s23, $0x4C4;
	_ =	swait.ge [sflag:s17], $0x50  }
0x31: {  	[sflag:s17] =	ssyncset.done $0x0  }
0x32: {  	[sflag:s17] =	ssyncadd.s32 $0xFFFFFFB0  }
0x33: {  	[spmem:s3] =	stream.indirect.scatter.add.f32 [tilespmem:s12], [sflag:$0x3], $0x80, s4, s18, $0xb8;
	[tilespmem:$0x16900] =	vst v63  }
0x34: {  	_ =	swait.ge [sflag:s13], $0x2800  }
0x35: {  	s23 =	sshrl.u32 s21, $0x3;
	[sflag:s13] =	ssyncset.done $0x0  }
0x36: {  	s23 =	sadd.s32 s5, s23;
	[sflag:s13] =	ssyncadd.s32 $0xFFFFD800  }
0x37: {  	[tilespmem:s4], [sflag:$0x1] =	stream.linear.gather [hbm4b:s23+s4], $0x50, $0x38;
	[tilespmem:$0x16900] =	vst v63  }
0x38: {  	_ =	swait.ge [sflag:s19], $0x50  }
.Ltmp0:
0x39: {  	[sflag:s19] =	ssyncset.done $0x0;
	(pc) =	sbr.rel @p0 .LBB2_2-.Ltmp0, $4  }
0x3a: {  	[sflag:s19] =	ssyncadd.s32 $0xFFFFFFB0  }
0x3b: {  	[spmem:s3] =	stream.indirect.scatter.add.f32 [tilespmem:s12], [sflag:$0x3], $0x80, s16, s18, $0xb8;
	[tilespmem:$0x16900] =	vst v63  }
0x3c: {  	_ =	swait.ge [sflag:s13], $0x2800  }
0x3d: {  	s21 =	sadd.s32 $0xA0, s21;
	s23 =	smov.u32 s25;
	[sflag:s13] =	ssyncset.done $0x0  }
0x3e: {  	s22 =	sadd.s32 s22, s11;
	[sflag:s13] =	ssyncadd.s32 $0xFFFFD800  }
0x3f: {  	[tilespmem:s16], [sflag:$0x2] =	stream.linear.gather [hbm4b:s22+s4], $0x50, $0x38;
	[tilespmem:$0x16900] =	vst v63  }
0x40: {  	_ =	swait.ge [sflag:s17], $0x50  }
0x41: {  	[sflag:s17] =	ssyncset.done $0x0  }
0x42: {  	[sflag:s17] =	ssyncadd.s32 $0xFFFFFFB0  }
0x43: {  	[spmem:s3] =	stream.indirect.scatter.add.f32 [tilespmem:s12], [sflag:$0x3], $0x80, s4, s18, $0xb8;
	[tilespmem:$0x16900] =	vst v63  }
0x44: {  	_ =	swait.ge [sflag:s13], $0x2800  }
0x45: {  	s21 =	sshrl.u32 s21, $0x3;
	[sflag:s13] =	ssyncset.done $0x0  }
0x46: {  	s21 =	sadd.s32 s5, s21;
	[sflag:s13] =	ssyncadd.s32 $0xFFFFD800  }
0x47: {  	[tilespmem:s4], [sflag:$0x1] =	stream.linear.gather [hbm4b:s21+s4], $0x50, $0x38;
	[tilespmem:$0x16900] =	vst v63  }
0x48: {  	_ =	swait.ge [sflag:s19], $0x50  }
0x49: {  	[sflag:s19] =	ssyncset.done $0x0  }
0x4a: {  	[sflag:s19] =	ssyncadd.s32 $0xFFFFFFB0  }
0x4b: {  	[spmem:s3] =	stream.indirect.scatter.add.f32 [tilespmem:s12], [sflag:$0x3], $0x80, s16, s18, $0xb8;
	[tilespmem:$0x16900] =	vst v63  }
0x4c: {  	_ =	swait.ge [sflag:s13], $0x2800  }
0x4d: {  	[sflag:s13] =	ssyncset.done $0x0  }
0x4e: {  	[sflag:s13] =	ssyncadd.s32 $0xFFFFD800  }
0x4f: {  	_ =	swait.ge [sflag:s17], $0x50  }
0x50: {  	[sflag:s17] =	ssyncset.done $0x0  }
0x51: {  	[sflag:s17] =	ssyncadd.s32 $0xFFFFFFB0  }
0x52: {  	[spmem:s3] =	stream.indirect.scatter.add.f32 [tilespmem:s12], [sflag:$0x3], $0x80, s4, s18, $0xb8;
	[tilespmem:$0x16900] =	vst v63  }
0x53: {  	_ =	swait.ge [sflag:s13], $0x2800  }
0x54: {  	s20 =	sadd.s32 $0x1, s20;
	[sflag:s13] =	ssyncset.done $0x0  }
0x55: {  	p0 =	sne.s32 s20, s9;
	[sflag:s13] =	ssyncadd.s32 $0xFFFFD800  }
.Ltmp1:
0x56: {  	[bflag:$0x0] =	sbarrier.arrive $0xFFFF;
	(pc) =	sbr.rel @p0 .LBB2_1-.Ltmp1, $4  }
0x57: {  	[hbm:s8], [sflag:s14] =	dma.local [spmem:s15], $0x2800  }
0x58: {  	_ =	swait.ge [sflag:s13], $0x2800  }
0x59: {  	[sflag:s13] =	ssyncset.done $0x0  }
0x5a: {  	[sflag:s13] =	ssyncadd.s32 $0xFFFFD800  }
0x5b: {  	_ =	sfence.sel $0x180000  }
0x5c: {  	[bflag:$0x0] =	sbarrier.arrive $0xFFFF  }
0x5d: {  	p0 =	sne.s32 s2, $0x0;
	_ =	strace $0x90000047  }
0x5e: {  	s0 =	sadd.s32 @!p0 $0x100000, s0;
	[bflag:$0x2] =	sbarrier.arrive $0xFFFF  }
0x5f: {  	[sflag:s0] =	ssyncadd.tile.s32 @!p0 $0x1;
	_ =	shalt  }
.Lfunc_end2:
_tile_overlayer_lowered:
.L_overlay_start_2:
0x60: {  	(tag) =	ssettag $0x2  }
0x61: {  	s0 =	rddreg [dreg:$0x0];
	s2 =	stileid.u32  }
0x62: {  	s1 =	rddreg [dreg:$0x1];
	p0 =	sne.s32 s2, $0x0  }
0x63: {  	s3 =	rddreg [dreg:$0x2];
	[bflag:$0x3] =	sbarrier.arrive $0xFFFF;
	s2 =	simm.s32 @!p0 $0x1C03  }
0x64: {  	[timem:s3], [sflag:s2] =	dma.local @!p0 [hbm:s0], s1  }
0x65: {  	s0 =	simm.s32 @!p0 $0x3  }
0x66: {  	_ =	swait.ge @!p0 [sflag:s0], s1  }
0x67: {  	s1 =	ssub.s32 @!p0 $0x0, s1;
	[sflag:s0] =	ssyncset.done @!p0 $0x0  }
0x68: {  	[sflag:s0] =	ssyncadd.s32 @!p0 s1  }
0x69: {  	[bflag:$0x3] =	sbarrier.arrive $0xFFFF  }
0x6a: {  	_ =	shalt  }

// kernel: kernel.9.cloned.1.call-start
scs
__scs_entry_jumppad:
0x0: {  	(pc) =	sbr.rel $0x88, $3  }
0x1: {  	(tag) =	ssettag $0x0;
	lr =	simm.s32 $0x1  }
0x2: {  	[smem:$0x3F9A] =	sst lr;
	_ =	strace $0xD0000000  }
0x3: {  	_ = 	snop  }
0x4: {  	_ = 	snop  }
0x5: {  	_ = 	snop  }
0x6: {  	_ = 	snop  }
0x7: {  	_ = 	snop  }
__scs_overlays_trampoline_lowered:
0x8: {  	[smem:$0x3FA9] =	sst s0  }
0x9: {  	[smem:$0x3FAA] =	sst s1  }
0xa: {  	[smem:$0x3FAB] =	sst s2  }
0xb: {  	[smem:$0x3FAC] =	sst s3  }
0xc: {  	[smem:$0x3FAD] =	sst s4  }
0xd: {  	[smem:$0x3FAE] =	sst s5  }
0xe: {  	[smem:$0x3FAF] =	sst s6  }
0xf: {  	[smem:$0x3FB0] =	sst s7  }
0x10: {  	[smem:$0x3FB1] =	sst s8  }
0x11: {  	[smem:$0x3FB2] =	sst s9;
	s0 =	simm.s32 @!p0 $0x0  }
0x12: {  	s1 =	sld [smem:$0x3F98];
	s0 =	simm.s32 @p0 $0x1  }
0x13: {  	[smem:$0x3FB3] =	sst s0;
	s0 =	simm.s32 @!p1 $0x0  }
0x14: {  	s2 =	sld [smem:$0x3F97];
	s0 =	simm.s32 @p1 $0x1  }
0x15: {  	[smem:$0x3FB4] =	sst s0;
	s0 =	simm.s32 @!p2 $0x0  }
0x16: {  	s3 =	sld [smem:$0x3FDB];
	s0 =	simm.s32 @p2 $0x1  }
0x17: {  	s4 =	simm.s32 $0x1BF5;
	[smem:$0x3FB6] =	sst s0  }
0x18: {  	s0 =	sld [smem:$0x3F99];
	_ =	swait.ge [sflag:s4], $0x0  }
0x19: {  	s7 =	sld [smem:$0x3F9A]  }
0x1a: {  	s8 =	sadd.s32 $0xFFFFE003, lr  }
0x1b: {  	s9 =	sadd.s32 $0xFFFFFEF7, lr;
	s5 =	simm.s32 $0xFFFFFFFF;
	p2 =	slt.u32 s8, $0xFFFFF086  }
0x1c: {  	p1 =	slt.u32 s9, $0xF7A;
	s5 =	simm.s32 @!p2 $0x0  }
0x1d: {  	s5 =	simm.s32 @p1 $0x1;
	p0 =	seq.s32 s7, s2  }
0x1e: {  	s7 =	smul.u32 @!p0 $0xF7A, s2;
	p2 =	seq.s32 @!p0 s5, $0x0  }
0x1f: {  	s9 =	smul.u32 $0xF7A, s1;
	s8 =	simm.s32 @!p0 $0x1BF5;
	p2 =	por !p2, p0  }
0x20: {  	[sflag:s8] =	ssyncset.s32 @!p0 $0xFFFFF086;
	s6 =	sadd.s32 @!p0 s3, s7;
	s7 =	simm.s32 @!p0 $0x108  }
0x21: {  	s3 =	sadd.s32 s3, s9;
	s6 =	sadd.s32 @!p0 $0x88, s6;
	s7 =	simm.s32 @p2 $0x1082  }
0x22: {  	[simem:s7], [sflag:s8] =	dma.local @!p0 [hbm:s6], $0xF7A  }
0x23: {  	s9 =	sor.u32 $0xD0000000, s2;
	s6 =	simm.s32 $0x108;
	_ =	swait.ge @!p0 [sflag:s8], $0x0  }
0x24: {  	s3 =	sadd.s32 $0x88, s3;
	s6 =	simm.s32 @!p1 $0x1082;
	[sflag:s4] =	ssyncset.s32 $0xFFFFF086  }
0x25: {  	[simem:s6], [sflag:s4] =	dma.local [hbm:s3], $0xF7A  }
0x26: {  	[smem:$0x3F9A] =	sst s1;
	(tag) =	ssettag s2;
	_ =	strace s9  }
0x27: {  	s1 =	sld [smem:$0x3FAA]  }
0x28: {  	s2 =	sld [smem:$0x3FAB]  }
0x29: {  	s4 =	sld [smem:$0x3FAD]  }
0x2a: {  	p0 =	seq.s32 s5, $0x0;
	s5 =	sld [smem:$0x3FAE]  }
0x2b: {  	s6 =	sld [smem:$0x3FAF]  }
0x2c: {  	s7 =	sld [smem:$0x3FB0]  }
0x2d: {  	s3 =	simm.s32 $0x108;
	s8 =	sld [smem:$0x3FB1]  }
0x2e: {  	s3 =	simm.s32 @!p0 $0x1082;
	s9 =	sld [smem:$0x3FB2]  }
0x2f: {  	lr =	sadd.s32 s0, s3;
	s0 =	sld [smem:$0x3FA9]  }
0x30: {  	s3 =	sld [smem:$0x3FAC]  }
0x31: {  	[smem:$0x3FB5] =	sst s10  }
0x32: {  	s10 =	sld [smem:$0x3FB3];
	_ =	sdelay $0x3  }
0x33: {  	p0 =	seq.s32 s10, $0x1;
	s10 =	sld [smem:$0x3FB5];
	_ =	sdelay $0x3  }
0x34: {  	[smem:$0x3FB5] =	sst s10  }
0x35: {  	s10 =	sld [smem:$0x3FB4];
	_ =	sdelay $0x3  }
0x36: {  	p1 =	seq.s32 s10, $0x1;
	s10 =	sld [smem:$0x3FB5];
	_ =	sdelay $0x3  }
0x37: {  	[smem:$0x3FB5] =	sst s10  }
0x38: {  	s10 =	sld [smem:$0x3FB6]  }
0x39: {  	_ = 	snop;
	(pc) =	sbr.ind lr, $3  }
0x3a: {  	_ = 	snop  }
0x3b: {  	_ = 	snop  }
0x3c: {  	p2 =	seq.s32 s10, $0x1;
	s10 =	sld [smem:$0x3FB5]  }
0x3d: {  	_ =	shalt  }
0x3e: {  	_ =	shalt  }
0x3f: {  	_ =	shalt  }
0x40: {  	_ =	shalt  }
0x41: {  	_ =	shalt  }
0x42: {  	_ =	shalt  }
0x43: {  	_ =	shalt  }
0x44: {  	_ =	shalt  }
0x45: {  	_ =	shalt  }
0x46: {  	_ =	shalt  }
0x47: {  	_ =	shalt  }
0x48: {  	_ =	shalt  }
0x49: {  	_ =	shalt  }
0x4a: {  	_ =	shalt  }
0x4b: {  	_ =	shalt  }
0x4c: {  	_ =	shalt  }
0x4d: {  	_ =	shalt  }
0x4e: {  	_ =	shalt  }
0x4f: {  	_ =	shalt  }
0x50: {  	_ =	shalt  }
0x51: {  	_ =	shalt  }
0x52: {  	_ =	shalt  }
0x53: {  	_ =	shalt  }
0x54: {  	_ =	shalt  }
0x55: {  	_ =	shalt  }
0x56: {  	_ =	shalt  }
0x57: {  	_ =	shalt  }
0x58: {  	_ =	shalt  }
0x59: {  	_ =	shalt  }
0x5a: {  	_ =	shalt  }
0x5b: {  	_ =	shalt  }
0x5c: {  	_ =	shalt  }
0x5d: {  	_ =	shalt  }
0x5e: {  	_ =	shalt  }
0x5f: {  	_ =	shalt  }
0x60: {  	_ =	shalt  }
0x61: {  	_ =	shalt  }
0x62: {  	_ =	shalt  }
0x63: {  	_ =	shalt  }
0x64: {  	_ =	shalt  }
0x65: {  	_ =	shalt  }
0x66: {  	_ =	shalt  }
0x67: {  	_ =	shalt  }
0x68: {  	_ =	shalt  }
0x69: {  	_ =	shalt  }
0x6a: {  	_ =	shalt  }
0x6b: {  	_ =	shalt  }
0x6c: {  	_ =	shalt  }
0x6d: {  	_ =	shalt  }
0x6e: {  	_ =	shalt  }
0x6f: {  	_ =	shalt  }
0x70: {  	_ =	shalt  }
0x71: {  	_ =	shalt  }
0x72: {  	_ =	shalt  }
0x73: {  	_ =	shalt  }
0x74: {  	_ =	shalt  }
0x75: {  	_ =	shalt  }
0x76: {  	_ =	shalt  }
0x77: {  	_ =	shalt  }
0x78: {  	_ =	shalt  }
0x79: {  	_ =	shalt  }
0x7a: {  	_ =	shalt  }
0x7b: {  	_ =	shalt  }
0x7c: {  	_ =	shalt  }
0x7d: {  	_ =	shalt  }
0x7e: {  	_ =	shalt  }
0x7f: {  	_ =	shalt  }
0x80: {  	_ =	shalt  }
0x81: {  	_ =	shalt  }
0x82: {  	_ =	shalt  }
0x83: {  	_ =	shalt  }
0x84: {  	_ =	shalt  }
0x85: {  	_ =	shalt  }
0x86: {  	_ =	shalt  }
0x87: {  	_ =	shalt  }
.Lfunc_end0:
.L_simem_size_0:
called_computation.1_lowered:
.L_overlay_start_0:
0x88: {  	s2 =	sld [smem:$0x3FD9]  }
0x89: {  	s3 =	sld [smem:$0x3FFE];
	_ =	sdelay $0x1  }
0x8a: {  	s1 =	srdreg.scid  }
0x8b: {  	s0 =	sand.u32 $0x1, s1  }
0x8c: {  	s17 =	sshll.u32 s0, $0xA;
	s2 =	sadd.s32 s3, s2  }
0x8d: {  	s2 =	sadd.s32 s2, s17  }
0x8e: {  	[smem:$0x3FC1] =	sst s2  }
0x8f: {  	_ = 	snop  }
0x90: {  	s2 =	sld [smem:$0x3FD0];
	(tm) =	ssettm $0x1  }
0x91: {  	s18 =	sld [smem:$0x3FFB];
	_ =	sdelay $0x3  }
0x92: {  	_ =	strace s18  }
0x93: {  	s3 =	sld [smem:$0x3FFC];
	_ =	sdelay $0x3  }
0x94: {  	_ =	strace s3  }
0x95: {  	s3 =	sld [smem:$0x3FFD];
	_ =	sdelay $0x3  }
0x96: {  	_ =	strace s3  }
0x97: {  	_ =	strace $0x8FFFFFFF  }
0x98: {  	s19 =	sld [smem:$0x3FDB];
	_ =	sdelay $0x1  }
0x99: {  	s4 =	simm.s32 $_scs_section_size  }
0x9a: {  	s5 =	simm.s32 $_size__tile_overlayer_lowered;
	s6 =	simm.s32 $_tile_overlayer_lowered  }
0x9b: {  	s22 =	simm.s32 $0x1BFF;
	s21 =	sshll.u32 s6, $0x1;
	s3 =	sadd.s32 s4, s19  }
0x9c: {  	s7 =	simm.s32 $0x0;
	s20 =	sshll.u32 s5, $0x1;
	s5 =	sadd.s32 s21, s3  }
0x9d: {  	[timem:s7], [sflag:s22] =	dma.local [hbm:s5], s20  }
0x9e: {  	_ =	swait.ge [sflag:s22], s20  }
0x9f: {  	s4 =	ssub.s32 $0x0, s20;
	[sflag:s22] =	ssyncset.done $0x0  }
0xa0: {  	[sflag:s22] =	ssyncadd.s32 s4;
	_ =	sdelay $0x1  }
0xa1: {  	s23 =	simm.s32 $0x1B8B  }
0xa2: {  	_ =	swait.ge [sflag:s23], $0x1  }
0xa3: {  	[sflag:s23] =	ssyncset.done $0x0  }
0xa4: {  	s25 =	simm.s32 $0x1B8E;
	s24 =	sld [smem:$0x3FFE];
	[sflag:s23] =	ssyncadd.s32 $0xFFFFFFFF  }
0xa5: {  	s26 =	simm.s32 $execute0_lowered;
	[smem:$0x3FD2] =	sst s25  }
0xa6: {  	s5 =	sshll.u32 s26, $0x1;
	_ =	strace $0x80000049;
	[dreg:$0x1] =	wrdreg $0xFFFFFFFF  }
0xa7: {  	s28 =	simm.s32 $_size_execute0_lowered;
	s3 =	sadd.s32 s3, s5;
	[dreg:$0x0] =	wrdreg $0x0  }
0xa8: {  	s5 =	sshll.u32 s28, $0x1;
	[dreg:$0x2] =	wrdreg s3  }
0xa9: {  	[dreg:$0x3] =	wrdreg s5  }
0xaa: {  	[dreg:$0x4] =	wrdreg $0xC0  }
0xab: {  	_ =	task [dreg:s7], $0x5FFFF  }
0xac: {  	[dreg:$0x1] =	wrdreg $0xFFFFFFFF  }
0xad: {  	[dreg:$0x0] =	wrdreg $0x60  }
0xae: {  	[dreg:$0x2] =	wrdreg s24  }
0xaf: {  	[dreg:$0x3] =	wrdreg s2  }
0xb0: {  	[dreg:$0x4] =	wrdreg $0x7B000  }
0xb1: {  	[dreg:$0x5] =	wrdreg $0x9  }
0xb2: {  	_ =	task.clear_ibuf [dreg:s7], $0x6FFFF;
	_ =	strace $0x90000049  }
0xb3: {  	s29 =	simm.s32 $0x9;
	_ =	strace $0x8000004B  }
0xb4: {  	_ =	swait.ge [sflag:s29], $0x1  }
0xb5: {  	[sflag:s29] =	ssyncadd.s32 $0xFFFFFFFF  }
0xb6: {  	_ =	strace $0x9000004B  }
0xb7: {  	_ =	sfence  }
0xb8: {  	s30 =	sld [smem:$0x0];
	_ =	sdelay $0x2  }
0xb9: {  	s31 =	sshll.u32 s1, $0xD;
	s1 =	sshrl.u32 s1, $0x2  }
0xba: {  	s3 =	sand.u32 $0x4000, s31;
	s1 =	sadd.s32 s1, s30  }
0xbb: {  	s0 =	sor.u32 s3, s0;
	s1 =	sshll.u32 s1, $0x11  }
0xbc: {  	s0 =	sor.u32 s1, s0  }
0xbd: {  	s0 =	sadd.s32 $0x8F2B, s0  }
0xbe: {  	[sflag:s0] =	ssyncadd.remote.s32 $0x1  }
0xbf: {  	_ =	sfence.sel $0xFFFF  }
0xc0: {  	[dreg:$0x0] =	wrdreg $0xFFFFFFFF;
	(pc) =	sbr.abs _section_cstart, $3  }
0xc1: {  	[dreg:$0x1] =	wrdreg $0xFFFFFFFF  }
0xc2: {  	_ =	task.clear_ibuf [dreg:s7], $0x2FFFF;
	_ =	strace $0x9FFFFFFF  }
0xc3: {  	(tm) =	ssettm $0x7FFFFFFF  }
tec
execute0_lowered:
.L_overlay_start_1:
0x0: {  	(tag) =	ssettag $0x1  }
0x1: {  	s0 =	rddreg [dreg:$0x0]  }
0x2: {  	s1 =	rddreg [dreg:$0x1]  }
0x3: {  	s2 =	rddreg [dreg:$0x2]  }
0x4: {  	s4 =	simm.s32 $0x0;
	s3 =	srdreg.scid;
	s12 =	stileid.u32  }
0x5: {  	s28 =	simm.s32 $0x200;
	s29 =	simm.s32 $0x280;
	s30 =	simm.s32 $0x1  }
0x6: {  	s31 =	simm.s32 $0x50;
	[smem:$0x7FF] =	sst s4;
	s3 =	sand.u32 $0x1, s3  }
0x7: {  	s8 =	smul.u32 $0x14000, s12;
	s5 =	sadd.s32 $0xB400, s0;
	s6 =	sadd.s32 $0x1600, s0  }
0x8: {  	s9 =	sadd.s32 $0x15200, s0;
	s24 =	sshll.u32 s12, $0x1;
	s25 =	smul.u32 $0x50000, s12  }
0x9: {  	s13 =	sshll.u32 s12, $0x6;
	s14 =	smul.u32 $0x4E20, s12;
	s12 =	simm.s32 $0x5  }
0xa: {  	s7 =	smul.u32 $0x140000, s3;
	_ =	strace $0x8000004A;
	[dreg:$0x4] =	wrdreg s9  }
0xb: {  	s10 =	ssub.s32 $0x2, s3;
	s16 =	sor.u32 $0x1C07, s13;
	s13 =	simm.s32 $0x6  }
0xc: {  	s11 =	sshrl.u32 s10, $0x1;
	s9 =	sshrl.u32 s25, $0x2;
	[dreg:$0x6] =	wrdreg s16  }
0xd: {  	s7 =	sadd.s32 s8, s7;
	s8 =	sor.u32 s3, s24;
	s26 =	ssub.s32 s10, s11  }
0xe: {  	s9 =	sadd.s32 s9, s2;
	s3 =	smul.u32 $0x2710, s3;
	s10 =	simm.s32 $0x5300  }
0xf: {  	s11 =	simm.s32 $0x4;
	s7 =	sshrl.u32 s7, $0x3;
	s8 =	smul.u32 $0x2710, s8  }
0x10: {  	[dreg:$0x5] =	wrdreg s9;
	s0 =	sadd.s32 s7, s0;
	s3 =	sadd.s32 s3, s14  }
0x11: {  	s7 =	smax.u32 s26, $0x1;
	s14 =	simm.s32 $0x0;
	s8 =	sshrl.u32 s8, $0x3  }
0x12: {  	s22 =	sadd.s32 $0x190, s3;
	s0 =	sadd.s32 $0x67A00, s0;
	s24 =	sadd.s32 $0x140, s3  }
0x13: {  	[dreg:$0xe] =	wrdreg s7;
	s26 =	sadd.s32 $0xF0, s3;
	s3 =	simm.s32 $0x2  }
0x14: {  	s7 =	simm.s32 $0x2B00;
	s15 =	sadd.s32 $0xA, s8;
	[dreg:$0xd] =	wrdreg s0  }
0x15: {  	s17 =	sadd.s32 s5, s8;
	s18 =	sadd.s32 s6, s8;
	[dreg:$0xf] =	wrdreg s26  }
0x16: {  	s8 =	sadd.s32 $0x14, s8;
	s23 =	sshrl.u32 s22, $0x3;
	[dreg:$0x7] =	wrdreg s17  }
0x17: {  	s25 =	sshrl.u32 s24, $0x3;
	[dreg:$0x8] =	wrdreg s18;
	s19 =	sadd.s32 s5, s15  }
0x18: {  	s24 =	simm.s32 $0x80;
	s20 =	sadd.s32 s6, s15;
	[dreg:$0x9] =	wrdreg s19  }
.Ltmp0:
0x19: {  	s21 =	sadd.s32 s5, s8;
	[dreg:$0xa] =	wrdreg s20;
	(pc) =	sbr.rel .LBB2_1-.Ltmp0, $4  }
0x1a: {  	s26 =	simm.s32 $0x180;
	s8 =	sadd.s32 s6, s8;
	[dreg:$0xb] =	wrdreg s21  }
0x1b: {  	s0 =	simm.s32 $0x300;
	s18 =	sadd.s32 s23, s6;
	[dreg:$0xc] =	wrdreg s8  }
0x1c: {  	s19 =	sadd.s32 s23, s5;
	s20 =	sadd.s32 s25, s6;
	s21 =	sadd.s32 s25, s5  }
0x1d: {  	s23 =	simm.s32 $0x7;
	s25 =	simm.s32 $0x100;
	s8 =	simm.s32 $0x3  }
.LBB2_4:
0x1e: {  	_ =	swait.ge [sflag:s11], $0x2800  }
0x1f: {  	[sflag:s11] =	ssyncset.done $0x0  }
0x20: {  	[sflag:s11] =	ssyncadd.s32 $0xFFFFD800  }
0x21: {  	[spmem:s2] =	stream.indirect.scatter.add.f32 [tilespmem:s0], [sflag:$0x7], $0x80, s24, s31, $0xb8;
	[tilespmem:$0x1BB00] =	vst v63  }
0x22: {  	_ =	swait.ge [sflag:s23], $0x2800  }
0x23: {  	[sflag:s23] =	ssyncset.done $0x0  }
0x24: {  	[sflag:s23] =	ssyncadd.s32 $0xFFFFD800  }
0x25: {  	_ =	swait.ge [sflag:s12], $0x2800  }
0x26: {  	[sflag:s12] =	ssyncset.done $0x0  }
0x27: {  	[sflag:s12] =	ssyncadd.s32 $0xFFFFD800  }
0x28: {  	[spmem:s2] =	stream.indirect.scatter.add.f32 [tilespmem:s7], [sflag:$0x7], $0x80, s26, s31, $0xb8;
	[tilespmem:$0x1BB00] =	vst v63  }
0x29: {  	_ =	swait.ge [sflag:s23], $0x2800  }
0x2a: {  	[sflag:s23] =	ssyncset.done $0x0  }
0x2b: {  	[sflag:s23] =	ssyncadd.s32 $0xFFFFD800  }
0x2c: {  	[bflag:$0x0] =	sbarrier.arrive $0xFFFF  }
0x2d: {  	s16 =	rddreg [dreg:$0x6]  }
0x2e: {  	s9 =	rddreg [dreg:$0xd]  }
0x2f: {  	[hbm:s9], [sflag:s16] =	dma.local [spmem:s15], $0x2800  }
0x30: {  	_ =	swait.ge [sflag:s23], $0x2800  }
0x31: {  	s14 =	sadd.s32 $0x1, s14;
	s22 =	rddreg [dreg:$0xe]  }
0x32: {  	p0 =	sne.s32 s14, s22  }
.Ltmp1:
0x33: {  	_ = 	snop;
	(pc) =	sbr.rel @!p0 .LBB2_5-.Ltmp1, $3  }
0x34: {  	_ =	sdelay $0x1  }
0x35: {  	[sflag:s23] =	ssyncset.done $0x0  }
0x36: {  	[sflag:s23] =	ssyncadd.s32 $0xFFFFD800  }
.LBB2_1:
0x37: {  	s9 =	rddreg [dreg:$0x5]  }
0x38: {  	s22 =	rddreg [dreg:$0x4];
	s15 =	sshrl.u32 s9, $0x3  }
0x39: {  	[spmem:s15], [sflag:s16] =	dma.local [hbm:s22], $0x2800  }
0x3a: {  	_ =	swait.ge [sflag:s23], $0x2800  }
0x3b: {  	[sflag:s23] =	ssyncset.done $0x0  }
0x3c: {  	[sflag:s23] =	ssyncadd.s32 $0xFFFFD800  }
0x3d: {  	[bflag:$0x0] =	sbarrier.arrive $0xFFFF  }
0x3e: {  	s16 =	rddreg [dreg:$0x7]  }
0x3f: {  	[tilespmem:s4], [sflag:$0x1] =	stream.linear.gather [hbm4b:s16+s4], $0x50, $0x38;
	[tilespmem:$0x1BB00] =	vst v63  }
0x40: {  	s17 =	rddreg [dreg:$0x8]  }
0x41: {  	[tilespmem:s24], [sflag:$0x1] =	stream.linear.gather [hbm4b:s17+s4], $0x50, $0x38;
	[tilespmem:$0x1BB00] =	vst v63  }
0x42: {  	s22 =	rddreg [dreg:$0x9]  }
0x43: {  	[tilespmem:s25], [sflag:$0x2] =	stream.linear.gather [hbm4b:s22+s4], $0x50, $0x38;
	[tilespmem:$0x1BB00] =	vst v63  }
0x44: {  	s16 =	rddreg [dreg:$0xa]  }
0x45: {  	[tilespmem:s26], [sflag:$0x2] =	stream.linear.gather [hbm4b:s16+s4], $0x50, $0x38;
	[tilespmem:$0x1BB00] =	vst v63  }
0x46: {  	s17 =	rddreg [dreg:$0xb]  }
0x47: {  	[tilespmem:s28], [sflag:$0x3] =	stream.linear.gather [hbm4b:s17+s4], $0x50, $0x38;
	[tilespmem:$0x1BB00] =	vst v63  }
0x48: {  	s22 =	rddreg [dreg:$0xc]  }
0x49: {  	[tilespmem:s29], [sflag:$0x3] =	stream.linear.gather [hbm4b:s22+s4], $0x50, $0x38;
	[tilespmem:$0x1BB00] =	vst v63  }
0x4a: {  	_ =	swait.ge [sflag:s30], $0x50  }
0x4b: {  	[sflag:s30] =	ssyncset.done $0x0  }
0x4c: {  	[sflag:s30] =	ssyncadd.s32 $0xFFFFFFB0  }
0x4d: {  	_ =	swait.ge [sflag:s30], $0x50  }
0x4e: {  	[sflag:s30] =	ssyncset.done $0x0  }
0x4f: {  	[sflag:s30] =	ssyncadd.s32 $0xFFFFFFB0  }
0x50: {  	[tilespmem:s0], [sflag:$0x4] =	stream.indirect.gather [hbm4b:s1+s31], $0x80, s4, s31, $0xb8;
	[tilespmem:$0x1BB00] =	vst v63  }
0x51: {  	_ =	swait.ge [sflag:s3], $0x50  }
0x52: {  	[sflag:s3] =	ssyncset.done $0x0  }
0x53: {  	[sflag:s3] =	ssyncadd.s32 $0xFFFFFFB0  }
0x54: {  	_ =	swait.ge [sflag:s3], $0x50  }
0x55: {  	[sflag:s3] =	ssyncset.done $0x0  }
0x56: {  	[sflag:s3] =	ssyncadd.s32 $0xFFFFFFB0  }
0x57: {  	[tilespmem:s7], [sflag:$0x5] =	stream.indirect.gather [hbm4b:s1+s31], $0x80, s25, s31, $0xb8;
	[tilespmem:$0x1BB00] =	vst v63  }
0x58: {  	_ =	swait.ge [sflag:s8], $0x50  }
0x59: {  	[sflag:s8] =	ssyncset.done $0x0  }
0x5a: {  	[sflag:s8] =	ssyncadd.s32 $0xFFFFFFB0  }
0x5b: {  	_ =	swait.ge [sflag:s8], $0x50  }
0x5c: {  	[sflag:s8] =	ssyncset.done $0x0  }
0x5d: {  	s17 =	simm.s32 $0x0;
	s22 =	rddreg [dreg:$0xf];
	[sflag:s8] =	ssyncadd.s32 $0xFFFFFFB0  }
0x5e: {  	[tilespmem:s10], [sflag:$0x6] =	stream.indirect.gather [hbm4b:s1+s31], $0x80, s28, s31, $0xb8;
	[tilespmem:$0x1BB00] =	vst v63  }
.LBB2_2:
0x5f: {  	_ =	swait.ge [sflag:s11], $0x2800  }
0x60: {  	[sflag:s11] =	ssyncset.done $0x0  }
0x61: {  	[sflag:s11] =	ssyncadd.s32 $0xFFFFD800  }
0x62: {  	[spmem:s2] =	stream.indirect.scatter.add.f32 [tilespmem:s0], [sflag:$0x7], $0x80, s24, s31, $0xb8;
	[tilespmem:$0x1BB00] =	vst v63  }
0x63: {  	_ =	swait.ge [sflag:s23], $0x2800  }
0x64: {  	s16 =	sshrl.u32 s22, $0x3;
	[sflag:s23] =	ssyncset.done $0x0  }
0x65: {  	s9 =	sadd.s32 s5, s16;
	[sflag:s23] =	ssyncadd.s32 $0xFFFFD800  }
0x66: {  	[tilespmem:s4], [sflag:$0x1] =	stream.linear.gather [hbm4b:s9+s4], $0x50, $0x38;
	[tilespmem:$0x1BB00] =	vst v63  }
0x67: {  	s16 =	sadd.s32 s6, s16  }
0x68: {  	[tilespmem:s24], [sflag:$0x1] =	stream.linear.gather [hbm4b:s16+s4], $0x50, $0x38;
	[tilespmem:$0x1BB00] =	vst v63  }
0x69: {  	_ =	swait.ge [sflag:s30], $0x50  }
0x6a: {  	[sflag:s30] =	ssyncset.done $0x0  }
0x6b: {  	[sflag:s30] =	ssyncadd.s32 $0xFFFFFFB0  }
0x6c: {  	_ =	swait.ge [sflag:s30], $0x50  }
0x6d: {  	[sflag:s30] =	ssyncset.done $0x0  }
0x6e: {  	[sflag:s30] =	ssyncadd.s32 $0xFFFFFFB0  }
0x6f: {  	[tilespmem:s0], [sflag:$0x4] =	stream.indirect.gather [hbm4b:s1+s31], $0x80, s4, s31, $0xb8;
	[tilespmem:$0x1BB00] =	vst v63  }
0x70: {  	_ =	swait.ge [sflag:s12], $0x2800  }
0x71: {  	[sflag:s12] =	ssyncset.done $0x0  }
0x72: {  	[sflag:s12] =	ssyncadd.s32 $0xFFFFD800  }
0x73: {  	[spmem:s2] =	stream.indirect.scatter.add.f32 [tilespmem:s7], [sflag:$0x7], $0x80, s26, s31, $0xb8;
	[tilespmem:$0x1BB00] =	vst v63  }
0x74: {  	_ =	swait.ge [sflag:s23], $0x2800  }
0x75: {  	[sflag:s23] =	ssyncset.done $0x0  }
0x76: {  	s16 =	sadd.s32 s17, s21;
	[sflag:s23] =	ssyncadd.s32 $0xFFFFD800  }
0x77: {  	[tilespmem:s25], [sflag:$0x2] =	stream.linear.gather [hbm4b:s16+s4], $0x50, $0x38;
	[tilespmem:$0x1BB00] =	vst v63  }
0x78: {  	s16 =	sadd.s32 s17, s20  }
0x79: {  	[tilespmem:s26], [sflag:$0x2] =	stream.linear.gather [hbm4b:s16+s4], $0x50, $0x38;
	[tilespmem:$0x1BB00] =	vst v63  }
0x7a: {  	_ =	swait.ge [sflag:s3], $0x50  }
0x7b: {  	[sflag:s3] =	ssyncset.done $0x0  }
0x7c: {  	[sflag:s3] =	ssyncadd.s32 $0xFFFFFFB0  }
0x7d: {  	_ =	swait.ge [sflag:s3], $0x50  }
0x7e: {  	[sflag:s3] =	ssyncset.done $0x0  }
0x7f: {  	[sflag:s3] =	ssyncadd.s32 $0xFFFFFFB0  }
0x80: {  	[tilespmem:s7], [sflag:$0x5] =	stream.indirect.gather [hbm4b:s1+s31], $0x80, s25, s31, $0xb8;
	[tilespmem:$0x1BB00] =	vst v63  }
0x81: {  	_ =	swait.ge [sflag:s13], $0x2800  }
0x82: {  	p0 =	seq.s32 s17, $0x4B0;
	[sflag:s13] =	ssyncset.done $0x0  }
.Ltmp2:
0x83: {  	[sflag:s13] =	ssyncadd.s32 $0xFFFFD800;
	(pc) =	sbr.rel @p0 .LBB2_4-.Ltmp2, $4  }
0x84: {  	[spmem:s2] =	stream.indirect.scatter.add.f32 [tilespmem:s10], [sflag:$0x7], $0x80, s29, s31, $0xb8;
	[tilespmem:$0x1BB00] =	vst v63  }
0x85: {  	_ =	swait.ge [sflag:s23], $0x2800  }
0x86: {  	[sflag:s23] =	ssyncset.done $0x0  }
0x87: {  	[sflag:s23] =	ssyncadd.s32 $0xFFFFD800  }
0x88: {  	s9 =	sadd.s32 s17, s19  }
0x89: {  	[tilespmem:s28], [sflag:$0x3] =	stream.linear.gather [hbm4b:s9+s4], $0x50, $0x38;
	[tilespmem:$0x1BB00] =	vst v63  }
0x8a: {  	s16 =	sadd.s32 s17, s18  }
0x8b: {  	[tilespmem:s29], [sflag:$0x3] =	stream.linear.gather [hbm4b:s16+s4], $0x50, $0x38;
	[tilespmem:$0x1BB00] =	vst v63  }
0x8c: {  	_ =	swait.ge [sflag:s8], $0x50  }
0x8d: {  	[sflag:s8] =	ssyncset.done $0x0  }
.Ltmp3:
0x8e: {  	[sflag:s8] =	ssyncadd.s32 $0xFFFFFFB0;
	(pc) =	sbr.rel .LBB2_2-.Ltmp3, $4  }
0x8f: {  	_ =	swait.ge [sflag:s8], $0x50  }
0x90: {  	[sflag:s8] =	ssyncset.done $0x0  }
0x91: {  	s17 =	sadd.s32 $0x1E, s17;
	s22 =	sadd.s32 $0xF0, s22;
	[sflag:s8] =	ssyncadd.s32 $0xFFFFFFB0  }
0x92: {  	[tilespmem:s10], [sflag:$0x6] =	stream.indirect.gather [hbm4b:s1+s31], $0x80, s28, s31, $0xb8;
	[tilespmem:$0x1BB00] =	vst v63  }
.LBB2_5:
0x93: {  	_ =	sfence.sel $0x180000  }
0x94: {  	[bflag:$0x0] =	sbarrier.arrive $0xFFFF  }
0x95: {  	_ =	strace $0x9000004A  }
0x96: {  	s0 =	stileid.u32;
	[bflag:$0x2] =	sbarrier.arrive $0xFFFF  }
0x97: {  	p0 =	sne.s32 s0, $0x0;
	s0 =	rddreg [dreg:$0x3]  }
0x98: {  	s0 =	sadd.s32 @!p0 $0x100000, s0  }
0x99: {  	[sflag:s0] =	ssyncadd.tile.s32 @!p0 $0x1;
	_ =	shalt  }
.Lfunc_end2:
_tile_overlayer_lowered:
.L_overlay_start_2:
0x9a: {  	(tag) =	ssettag $0x2  }
0x9b: {  	s0 =	rddreg [dreg:$0x0];
	s2 =	stileid.u32  }
0x9c: {  	s1 =	rddreg [dreg:$0x1];
	p0 =	sne.s32 s2, $0x0  }
0x9d: {  	s3 =	rddreg [dreg:$0x2];
	[bflag:$0x3] =	sbarrier.arrive $0xFFFF;
	s2 =	simm.s32 @!p0 $0x1C07  }
0x9e: {  	[timem:s3], [sflag:s2] =	dma.local @!p0 [hbm:s0], s1  }
0x9f: {  	s0 =	simm.s32 @!p0 $0x7  }
0xa0: {  	_ =	swait.ge @!p0 [sflag:s0], s1  }
0xa1: {  	s1 =	ssub.s32 @!p0 $0x0, s1;
	[sflag:s0] =	ssyncset.done @!p0 $0x0  }
0xa2: {  	[sflag:s0] =	ssyncadd.s32 @!p0 s1  }
0xa3: {  	[bflag:$0x3] =	sbarrier.arrive $0xFFFF  }
0xa4: {  	_ =	shalt  }

</sc_bundles>
